<compile_context>
chip_gen: v7x
topology: tpu7x:2x2x1
jax: 0.10.2.dev20260603
libtpu: 0.0.44.dev20260713+nightly
codegen_flags: <defaults>
</compile_context>

<pallas_src>
import functools

import jax
import jax.numpy as jnp
from jax import lax
from jax.experimental import pallas as pl
from jax.experimental.pallas import tpu as pltpu
from jax.experimental.pallas import tpu_sc as plsc

N = 10000
E = 320000
F = 128

NC = 2
NS = 16
CHUNK = 128
NBUF = 2
G = 40
K_PER_TILE = 80
NBLK = NC * NS * K_PER_TILE
E_PAD = NBLK * CHUNK
N_PAD = 10112
ROWS_PER_TILE = N_PAD // NS

_mesh = plsc.VectorSubcoreMesh(core_axis_name="c", subcore_axis_name="s")


@functools.partial(
    pl.kernel,
    out_type=jax.ShapeDtypeStruct((NC, N_PAD, F), jnp.float32),
    mesh=_mesh,
    scratch_types=[
        pltpu.VMEM((G, CHUNK), jnp.int32),
        pltpu.VMEM((G, CHUNK), jnp.int32),
        pltpu.VMEM((CHUNK, F), jnp.float32),
        pltpu.VMEM((CHUNK, F), jnp.float32),
        pltpu.SemaphoreType.DMA,
        pltpu.SemaphoreType.DMA,
        pltpu.VMEM_SHARED((N_PAD, F), jnp.float32),
    ],
)
def _seg_sum_sc(table_hbm, src_hbm, dst_hbm, zeros_hbm, out_hbm,
                src_v, dst_v, b0, b1, s0, s1, acc_sh):
    bufs = (b0, b1)
    sems = (s0, s1)
    c = lax.axis_index("c")
    s = lax.axis_index("s")
    wid = c * NS + s
    rbase = s * ROWS_PER_TILE
    base = wid * K_PER_TILE
    pltpu.sync_copy(zeros_hbm.at[pl.ds(rbase, ROWS_PER_TILE)],
                    acc_sh.at[pl.ds(rbase, ROWS_PER_TILE)])
    plsc.subcore_barrier()

    for grp in range(K_PER_TILE // G):
        gbase = base + grp * G
        pltpu.sync_copy(src_hbm.at[pl.ds(gbase, G)], src_v)
        pltpu.sync_copy(dst_hbm.at[pl.ds(gbase, G)], dst_v)

        for b in range(NBUF):
            pltpu.async_copy(table_hbm.at[src_v.at[b]], bufs[b], sems[b])

        @pl.loop(0, G - NBUF, step=NBUF)
        def _(j):
            for b in range(NBUF):
                g = j + b
                pltpu.make_async_copy(
                    table_hbm.at[src_v.at[g]], bufs[b], sems[b]).wait()
                pltpu.sync_copy(bufs[b], acc_sh.at[dst_v.at[g]], add=True)
                pltpu.async_copy(
                    table_hbm.at[src_v.at[g + NBUF]], bufs[b], sems[b])

        for b in range(NBUF):
            g = G - NBUF + b
            pltpu.make_async_copy(
                table_hbm.at[src_v.at[g]], bufs[b], sems[b]).wait()
            pltpu.sync_copy(bufs[b], acc_sh.at[dst_v.at[g]], add=True)

    plsc.subcore_barrier()
    pltpu.sync_copy(acc_sh.at[pl.ds(rbase, ROWS_PER_TILE)],
                    out_hbm.at[c, pl.ds(rbase, ROWS_PER_TILE)])


_BR = 1000


def _row_spec():
    return pl.BlockSpec((_BR, F), lambda i: (i, 0))


def _full_spec():
    return pl.BlockSpec((F, F), lambda i: (0, 0))


def _bias_spec():
    return pl.BlockSpec((1, F), lambda i: (0, 0))


def _dot_t(a, w):
    return lax.dot_general(a, w, (((1,), (1,)), ((), ())),
                           preferred_element_type=jnp.float32)


def _layer_body(a0_ref, a1_ref, z_ref, x_ref, wl_ref, bl_ref,
                wrel_ref, brel_ref, wroot_ref, out_ref):
    xproj = _dot_t(x_ref[...], wl_ref[...]) + bl_ref[...]
    agg = a0_ref[...] + a1_ref[...]
    t = (_dot_t(agg, wrel_ref[...]) + brel_ref[...]
         + _dot_t(z_ref[...], wroot_ref[...]))
    out_ref[...] = jnp.maximum(t, 0.0) + xproj


_tc_layer = pl.pallas_call(
    _layer_body,
    grid=(N // _BR,),
    in_specs=[_row_spec(), _row_spec(), _row_spec(), _row_spec(),
              _full_spec(), _bias_spec(), _full_spec(), _bias_spec(),
              _full_spec()],
    out_specs=_row_spec(),
    out_shape=jax.ShapeDtypeStruct((N, F), jnp.float32),
)


@jax.jit
def kernel(x, edge_index, W_lin, b_lin, W_rel1, b_rel1, W_root1,
           W_rel2, b_rel2, W_root2):
    ei = edge_index.astype(jnp.int32)
    pad = E_PAD - E
    pad_ar = jnp.arange(pad, dtype=jnp.int32)
    src_p = jnp.concatenate(
        [ei[0], pad_ar % N]).reshape(NBLK, CHUNK)
    dst_p = jnp.concatenate(
        [ei[1], N + pad_ar % (N_PAD - N)]).reshape(NBLK, CHUNK)
    zeros = jnp.zeros((N_PAD, F), jnp.float32)

    bl = b_lin.reshape(1, F)
    br1 = b_rel1.reshape(1, F)
    br2 = b_rel2.reshape(1, F)

    parts1 = _seg_sum_sc(x, src_p, dst_p, zeros)
    h = _tc_layer(parts1[0, :N], parts1[1, :N], x, x,
                  W_lin, bl, W_rel1, br1, W_root1)
    parts2 = _seg_sum_sc(h, src_p, dst_p, zeros)
    return _tc_layer(parts2[0, :N], parts2[1, :N], h, x,
                     W_lin, bl, W_rel2, br2, W_root2)

# --- scband reference (transcript-rebuilt; emitter-appended) ---
"""Pipeline reference for scband-dgcnencoder-32590211842310 (READ-ONLY COPY).

The authoritative reference and input builder live on the scoring server;
editing this copy changes nothing except your own understanding.
"""

import jax, jax.numpy as jnp
import numpy as np

N = 10000
E = 320000
F = 128
H = 128


def setup_inputs(seed: int = 0) -> dict:
    key = jax.random.key(seed)
    ks = jax.random.split(key, 12)
    x = jax.random.normal(ks[0], (N, F), dtype=jnp.float32)
    edge_index = jax.random.randint(ks[1], (2, E), 0, N, dtype=jnp.int64)
    sF = 1.0 / np.sqrt(F)
    sH = 1.0 / np.sqrt(H)
    W_lin = jax.random.uniform(ks[2], (H, F), jnp.float32, -sF, sF)
    b_lin = jax.random.uniform(ks[3], (H,), jnp.float32, -sF, sF)
    W_rel1 = jax.random.uniform(ks[4], (H, F), jnp.float32, -sF, sF)
    b_rel1 = jax.random.uniform(ks[5], (H,), jnp.float32, -sF, sF)
    W_root1 = jax.random.uniform(ks[6], (H, F), jnp.float32, -sF, sF)
    W_rel2 = jax.random.uniform(ks[7], (H, H), jnp.float32, -sH, sH)
    b_rel2 = jax.random.uniform(ks[8], (H,), jnp.float32, -sH, sH)
    W_root2 = jax.random.uniform(ks[9], (H, H), jnp.float32, -sH, sH)
    return {"x": x, "edge_index": edge_index, "W_lin": W_lin, "b_lin": b_lin,
            "W_rel1": W_rel1, "b_rel1": b_rel1, "W_root1": W_root1,
            "W_rel2": W_rel2, "b_rel2": b_rel2, "W_root2": W_root2}


def _graph_conv(x, edge_index, W_rel, b_rel, W_root):
    # PyG GraphConv (aggr='add'): out_i = W_rel @ sum_{j in N(i)} x_j + b_rel + W_root @ x_i
    src = edge_index[0]
    dst = edge_index[1]
    msgs = jnp.take(x, src, axis=0)
    agg = jax.ops.segment_sum(msgs, dst, num_segments=N)
    return agg @ W_rel.T + b_rel + x @ W_root.T


def reference(x, edge_index, W_lin, b_lin, W_rel1, b_rel1, W_root1, W_rel2, b_rel2, W_root2):
    x_proj = x @ W_lin.T + b_lin
    h = _graph_conv(x, edge_index, W_rel1, b_rel1, W_root1)
    # dropout is identity in eval mode (train=False)
    h = jax.nn.relu(h)
    h = h + x_proj
    h2 = _graph_conv(h, edge_index, W_rel2, b_rel2, W_root2)
    h2 = jax.nn.relu(h2)
    h2 = h2 + x_proj
    return h2

if __name__ == "__main__":
    import jax
    _d = setup_inputs()
    print(jax.jit(kernel)(*tuple(_d.values())))

</pallas_src>

<mosaic_0001>
#map = affine_map<(d0, d1) -> (0, 0)>
#map1 = affine_map<(d0, d1) -> (0, 0, 0)>
module attributes {stable_mosaic.version = 14 : i64} {
  func.func @_seg_sum_sc(%arg0: i32, %arg1: i32, %arg2: memref<10000x128xf32, #tpu.memory_space<hbm>>, %arg3: memref<2560x128xi32, #tpu.memory_space<hbm>>, %arg4: memref<2560x128xi32, #tpu.memory_space<hbm>>, %arg5: memref<10112x128xf32, #tpu.memory_space<hbm>>, %arg6: memref<2x10112x128xf32, #tpu.memory_space<hbm>>, %arg7: memref<40x128xi32, #tpu.memory_space<vmem>>, %arg8: memref<40x128xi32, #tpu.memory_space<vmem>>, %arg9: memref<128x128xf32, #tpu.memory_space<vmem>>, %arg10: memref<128x128xf32, #tpu.memory_space<vmem>>, %arg11: memref<!tpu.dma_semaphore, #tpu.memory_space<semaphore_mem>>, %arg12: memref<!tpu.dma_semaphore, #tpu.memory_space<semaphore_mem>>, %arg13: memref<10112x128xf32, #tpu.memory_space<vmem_shared>>) attributes {dimension_semantics = [#tpu.dimension_semantics<core_parallel>, #tpu.dimension_semantics<subcore_parallel>], iteration_bounds = array<i64: 2, 16>, scalar_prefetch = 0 : i64, scratch_operands = 7 : i64, tpu.core_type = #tpu.core_type<sc_vector_subcore>, window_params = [{transform_indices = #map}, {transform_indices = #map}, {transform_indices = #map}, {transform_indices = #map}, {transform_indices = #map1}]} {
    %mul3A = arith.constant 16 : i32
    %mul3A_0 = arith.muli %arg0, %mul3A : i32
    %add3A = arith.addi %mul3A_0, %arg1 : i32
    %mul3A_1 = arith.constant 632 : i32
    %mul3A_2 = arith.muli %arg1, %mul3A_1 : i32
    %mul3A_3 = arith.constant 80 : i32
    %mul3A_4 = arith.muli %add3A, %mul3A_3 : i32
    "tpu.region"() ({
      %run_scoped3A_76 = tpu.sem_alloc : memref<!tpu.dma_semaphore, #tpu.memory_space<semaphore_mem>>
      %dma_start3A_77 = arith.constant 0 : i32
      %dma_start3A_78 = tpu.memref_slice %arg13[%mul3A_2, %dma_start3A_77] : memref<10112x128xf32, #tpu.memory_space<vmem_shared>> -> memref<632x128xf32, #tpu.memory_space<vmem_shared>>
      %dma_start3A_79 = arith.constant 0 : i32
      %dma_start3A_80 = tpu.memref_slice %arg5[%mul3A_2, %dma_start3A_79] : memref<10112x128xf32, #tpu.memory_space<hbm>> -> memref<632x128xf32, #tpu.memory_space<hbm>>
      tpu.enqueue_dma source(%dma_start3A_80 : memref<632x128xf32, #tpu.memory_space<hbm>>) target(%dma_start3A_78 : memref<632x128xf32, #tpu.memory_space<vmem_shared>>) target_semaphore(%run_scoped3A_76 : memref<!tpu.dma_semaphore, #tpu.memory_space<semaphore_mem>>)
      %dma_wait3A_81 = arith.constant 0 : i32
      %dma_wait3A_82 = tpu.memref_slice %arg13[%mul3A_2, %dma_wait3A_81] : memref<10112x128xf32, #tpu.memory_space<vmem_shared>> -> memref<632x128xf32, #tpu.memory_space<vmem_shared>>
      %dma_wait3A_83 = arith.constant 0 : i32
      %dma_wait3A_84 = tpu.memref_slice %arg5[%mul3A_2, %dma_wait3A_83] : memref<10112x128xf32, #tpu.memory_space<hbm>> -> memref<632x128xf32, #tpu.memory_space<hbm>>
      tpu.wait_dma2 semaphore(%run_scoped3A_76 : memref<!tpu.dma_semaphore, #tpu.memory_space<semaphore_mem>>) src(%dma_wait3A_84 : memref<632x128xf32, #tpu.memory_space<hbm>>) dst(%dma_wait3A_82 : memref<632x128xf32, #tpu.memory_space<vmem_shared>>)
      tpu.yield
    }) : () -> ()
    %barrier3A = arith.constant 0 : index
    tpu.barrier barrier_id(%barrier3A)
    %add3A_5 = arith.constant 0 : i32
    %add3A_6 = arith.addi %mul3A_4, %add3A_5 : i32
    "tpu.region"() ({
      %run_scoped3A_76 = tpu.sem_alloc : memref<!tpu.dma_semaphore, #tpu.memory_space<semaphore_mem>>
      %dma_start3A_77 = arith.constant 0 : i32
      %dma_start3A_78 = tpu.memref_slice %arg3[%add3A_6, %dma_start3A_77] : memref<2560x128xi32, #tpu.memory_space<hbm>> -> memref<40x128xi32, #tpu.memory_space<hbm>>
      %dma_start3A_79 = arith.constant 0 : i32
      %dma_start3A_80 = tpu.memref_slice %arg3[%add3A_6, %dma_start3A_79] : memref<2560x128xi32, #tpu.memory_space<hbm>> -> memref<40x128xi32, #tpu.memory_space<hbm>>
      tpu.enqueue_dma source(%dma_start3A_80 : memref<40x128xi32, #tpu.memory_space<hbm>>) target(%arg7 : memref<40x128xi32, #tpu.memory_space<vmem>>) target_semaphore(%run_scoped3A_76 : memref<!tpu.dma_semaphore, #tpu.memory_space<semaphore_mem>>)
      %dma_wait3A_81 = arith.constant 0 : i32
      %dma_wait3A_82 = tpu.memref_slice %arg3[%add3A_6, %dma_wait3A_81] : memref<2560x128xi32, #tpu.memory_space<hbm>> -> memref<40x128xi32, #tpu.memory_space<hbm>>
      %dma_wait3A_83 = arith.constant 0 : i32
      %dma_wait3A_84 = tpu.memref_slice %arg3[%add3A_6, %dma_wait3A_83] : memref<2560x128xi32, #tpu.memory_space<hbm>> -> memref<40x128xi32, #tpu.memory_space<hbm>>
      tpu.wait_dma2 semaphore(%run_scoped3A_76 : memref<!tpu.dma_semaphore, #tpu.memory_space<semaphore_mem>>) src(%dma_wait3A_84 : memref<40x128xi32, #tpu.memory_space<hbm>>) dst(%arg7 : memref<40x128xi32, #tpu.memory_space<vmem>>)
      tpu.yield
    }) : () -> ()
    "tpu.region"() ({
      %run_scoped3A_76 = tpu.sem_alloc : memref<!tpu.dma_semaphore, #tpu.memory_space<semaphore_mem>>
      %dma_start3A_77 = arith.constant 0 : i32
      %dma_start3A_78 = tpu.memref_slice %arg4[%add3A_6, %dma_start3A_77] : memref<2560x128xi32, #tpu.memory_space<hbm>> -> memref<40x128xi32, #tpu.memory_space<hbm>>
      %dma_start3A_79 = arith.constant 0 : i32
      %dma_start3A_80 = tpu.memref_slice %arg4[%add3A_6, %dma_start3A_79] : memref<2560x128xi32, #tpu.memory_space<hbm>> -> memref<40x128xi32, #tpu.memory_space<hbm>>
      tpu.enqueue_dma source(%dma_start3A_80 : memref<40x128xi32, #tpu.memory_space<hbm>>) target(%arg8 : memref<40x128xi32, #tpu.memory_space<vmem>>) target_semaphore(%run_scoped3A_76 : memref<!tpu.dma_semaphore, #tpu.memory_space<semaphore_mem>>)
      %dma_wait3A_81 = arith.constant 0 : i32
      %dma_wait3A_82 = tpu.memref_slice %arg4[%add3A_6, %dma_wait3A_81] : memref<2560x128xi32, #tpu.memory_space<hbm>> -> memref<40x128xi32, #tpu.memory_space<hbm>>
      %dma_wait3A_83 = arith.constant 0 : i32
      %dma_wait3A_84 = tpu.memref_slice %arg4[%add3A_6, %dma_wait3A_83] : memref<2560x128xi32, #tpu.memory_space<hbm>> -> memref<40x128xi32, #tpu.memory_space<hbm>>
      tpu.wait_dma2 semaphore(%run_scoped3A_76 : memref<!tpu.dma_semaphore, #tpu.memory_space<semaphore_mem>>) src(%dma_wait3A_84 : memref<40x128xi32, #tpu.memory_space<hbm>>) dst(%arg8 : memref<40x128xi32, #tpu.memory_space<vmem>>)
      tpu.yield
    }) : () -> ()
    %dma_start3A = arith.constant 0 : i32
    %dma_start3A_7 = arith.constant 0 : i32
    %dma_start3A_8 = tpu.memref_slice %arg7[%dma_start3A, %dma_start3A_7] : memref<40x128xi32, #tpu.memory_space<vmem>> -> memref<1x128xi32, #tpu.memory_space<vmem>>
    %dma_start3A_9 = tpu.memref_squeeze %dma_start3A_8 : memref<1x128xi32, #tpu.memory_space<vmem>> -> memref<128xi32, #tpu.memory_space<vmem>>
    %dma_start3A_10 = arith.constant 0 : i32
    %dma_start3A_11 = arith.constant 0 : i32
    %dma_start3A_12 = tpu.memref_slice %arg2[%dma_start3A_10, %dma_start3A_11] : memref<10000x128xf32, #tpu.memory_space<hbm>> -> memref<10000x128xf32, #tpu.memory_space<hbm>>
    tpu.enqueue_indirect_dma source(%dma_start3A_12 : memref<10000x128xf32, #tpu.memory_space<hbm>>) target(%arg9 : memref<128x128xf32, #tpu.memory_space<vmem>>) offsets(%dma_start3A_9 : memref<128xi32, #tpu.memory_space<vmem>>) semaphore(%arg11 : memref<!tpu.dma_semaphore, #tpu.memory_space<semaphore_mem>>)
    %dma_start3A_13 = arith.constant 1 : i32
    %dma_start3A_14 = arith.constant 0 : i32
    %dma_start3A_15 = tpu.memref_slice %arg7[%dma_start3A_13, %dma_start3A_14] : memref<40x128xi32, #tpu.memory_space<vmem>> -> memref<1x128xi32, #tpu.memory_space<vmem>>
    %dma_start3A_16 = tpu.memref_squeeze %dma_start3A_15 : memref<1x128xi32, #tpu.memory_space<vmem>> -> memref<128xi32, #tpu.memory_space<vmem>>
    %dma_start3A_17 = arith.constant 0 : i32
    %dma_start3A_18 = arith.constant 0 : i32
    %dma_start3A_19 = tpu.memref_slice %arg2[%dma_start3A_17, %dma_start3A_18] : memref<10000x128xf32, #tpu.memory_space<hbm>> -> memref<10000x128xf32, #tpu.memory_space<hbm>>
    tpu.enqueue_indirect_dma source(%dma_start3A_19 : memref<10000x128xf32, #tpu.memory_space<hbm>>) target(%arg10 : memref<128x128xf32, #tpu.memory_space<vmem>>) offsets(%dma_start3A_16 : memref<128xi32, #tpu.memory_space<vmem>>) semaphore(%arg12 : memref<!tpu.dma_semaphore, #tpu.memory_space<semaphore_mem>>)
    %scan3A = arith.constant 0 : i32
    %scan3A_20 = arith.constant 19 : i32
    %scan3A_21 = arith.addi %scan3A, %scan3A_20 : i32
    %scan3A_22 = arith.constant 1 : i32
    scf.for %scan3A_76 = %scan3A to %scan3A_21 step %scan3A_22  : i32 {
      %mul3A_77 = arith.constant 2 : i32
      %mul3A_78 = arith.muli %scan3A_76, %mul3A_77 : i32
      %add3A_79 = arith.constant 0 : i32
      %add3A_80 = arith.addi %add3A_79, %mul3A_78 : i32
      %add3A_81 = arith.constant 0 : i32
      %add3A_82 = arith.addi %add3A_80, %add3A_81 : i32
      %dma_wait3A_83 = arith.constant 0 : i32
      %dma_wait3A_84 = tpu.memref_slice %arg7[%add3A_82, %dma_wait3A_83] : memref<40x128xi32, #tpu.memory_space<vmem>> -> memref<1x128xi32, #tpu.memory_space<vmem>>
      %dma_wait3A_85 = tpu.memref_squeeze %dma_wait3A_84 : memref<1x128xi32, #tpu.memory_space<vmem>> -> memref<128xi32, #tpu.memory_space<vmem>>
      %dma_wait3A_86 = arith.constant 0 : i32
      %dma_wait3A_87 = arith.constant 0 : i32
      %dma_wait3A_88 = tpu.memref_slice %arg2[%dma_wait3A_86, %dma_wait3A_87] : memref<10000x128xf32, #tpu.memory_space<hbm>> -> memref<10000x128xf32, #tpu.memory_space<hbm>>
      tpu.wait_indirect_dma semaphore(%arg11 : memref<!tpu.dma_semaphore, #tpu.memory_space<semaphore_mem>>) src(%dma_wait3A_88 : memref<10000x128xf32, #tpu.memory_space<hbm>>) dst(%arg9 : memref<128x128xf32, #tpu.memory_space<vmem>>)
      "tpu.region"() ({
        %run_scoped3A_113 = tpu.sem_alloc : memref<!tpu.dma_semaphore, #tpu.memory_space<semaphore_mem>>
        %dma_start3A_114 = arith.constant 0 : i32
        %dma_start3A_115 = tpu.memref_slice %arg8[%add3A_82, %dma_start3A_114] : memref<40x128xi32, #tpu.memory_space<vmem>> -> memref<1x128xi32, #tpu.memory_space<vmem>>
        %dma_start3A_116 = tpu.memref_squeeze %dma_start3A_115 : memref<1x128xi32, #tpu.memory_space<vmem>> -> memref<128xi32, #tpu.memory_space<vmem>>
        %dma_start3A_117 = arith.constant 0 : i32
        %dma_start3A_118 = arith.constant 0 : i32
        %dma_start3A_119 = tpu.memref_slice %arg13[%dma_start3A_117, %dma_start3A_118] : memref<10112x128xf32, #tpu.memory_space<vmem_shared>> -> memref<10112x128xf32, #tpu.memory_space<vmem_shared>>
        tpu.enqueue_indirect_dma source(%arg9 : memref<128x128xf32, #tpu.memory_space<vmem>>) target(%dma_start3A_119 : memref<10112x128xf32, #tpu.memory_space<vmem_shared>>) offsets(%dma_start3A_116 : memref<128xi32, #tpu.memory_space<vmem>>) semaphore(%run_scoped3A_113 : memref<!tpu.dma_semaphore, #tpu.memory_space<semaphore_mem>>) {add = true}
        %dma_wait3A_120 = arith.constant 0 : i32
        %dma_wait3A_121 = tpu.memref_slice %arg8[%add3A_82, %dma_wait3A_120] : memref<40x128xi32, #tpu.memory_space<vmem>> -> memref<1x128xi32, #tpu.memory_space<vmem>>
        %dma_wait3A_122 = tpu.memref_squeeze %dma_wait3A_121 : memref<1x128xi32, #tpu.memory_space<vmem>> -> memref<128xi32, #tpu.memory_space<vmem>>
        %dma_wait3A_123 = arith.constant 0 : i32
        %dma_wait3A_124 = arith.constant 0 : i32
        %dma_wait3A_125 = tpu.memref_slice %arg13[%dma_wait3A_123, %dma_wait3A_124] : memref<10112x128xf32, #tpu.memory_space<vmem_shared>> -> memref<10112x128xf32, #tpu.memory_space<vmem_shared>>
        tpu.wait_indirect_dma semaphore(%run_scoped3A_113 : memref<!tpu.dma_semaphore, #tpu.memory_space<semaphore_mem>>) src(%arg9 : memref<128x128xf32, #tpu.memory_space<vmem>>) dst(%dma_wait3A_125 : memref<10112x128xf32, #tpu.memory_space<vmem_shared>>)
        tpu.yield
      }) : () -> ()
      %add3A_89 = arith.constant 2 : i32
      %add3A_90 = arith.addi %add3A_82, %add3A_89 : i32
      %dma_start3A_91 = arith.constant 0 : i32
      %dma_start3A_92 = tpu.memref_slice %arg7[%add3A_90, %dma_start3A_91] : memref<40x128xi32, #tpu.memory_space<vmem>> -> memref<1x128xi32, #tpu.memory_space<vmem>>
      %dma_start3A_93 = tpu.memref_squeeze %dma_start3A_92 : memref<1x128xi32, #tpu.memory_space<vmem>> -> memref<128xi32, #tpu.memory_space<vmem>>
      %dma_start3A_94 = arith.constant 0 : i32
      %dma_start3A_95 = arith.constant 0 : i32
      %dma_start3A_96 = tpu.memref_slice %arg2[%dma_start3A_94, %dma_start3A_95] : memref<10000x128xf32, #tpu.memory_space<hbm>> -> memref<10000x128xf32, #tpu.memory_space<hbm>>
      tpu.enqueue_indirect_dma source(%dma_start3A_96 : memref<10000x128xf32, #tpu.memory_space<hbm>>) target(%arg9 : memref<128x128xf32, #tpu.memory_space<vmem>>) offsets(%dma_start3A_93 : memref<128xi32, #tpu.memory_space<vmem>>) semaphore(%arg11 : memref<!tpu.dma_semaphore, #tpu.memory_space<semaphore_mem>>)
      %add3A_97 = arith.constant 1 : i32
      %add3A_98 = arith.addi %add3A_80, %add3A_97 : i32
      %dma_wait3A_99 = arith.constant 0 : i32
      %dma_wait3A_100 = tpu.memref_slice %arg7[%add3A_98, %dma_wait3A_99] : memref<40x128xi32, #tpu.memory_space<vmem>> -> memref<1x128xi32, #tpu.memory_space<vmem>>
      %dma_wait3A_101 = tpu.memref_squeeze %dma_wait3A_100 : memref<1x128xi32, #tpu.memory_space<vmem>> -> memref<128xi32, #tpu.memory_space<vmem>>
      %dma_wait3A_102 = arith.constant 0 : i32
      %dma_wait3A_103 = arith.constant 0 : i32
      %dma_wait3A_104 = tpu.memref_slice %arg2[%dma_wait3A_102, %dma_wait3A_103] : memref<10000x128xf32, #tpu.memory_space<hbm>> -> memref<10000x128xf32, #tpu.memory_space<hbm>>
      tpu.wait_indirect_dma semaphore(%arg12 : memref<!tpu.dma_semaphore, #tpu.memory_space<semaphore_mem>>) src(%dma_wait3A_104 : memref<10000x128xf32, #tpu.memory_space<hbm>>) dst(%arg10 : memref<128x128xf32, #tpu.memory_space<vmem>>)
      "tpu.region"() ({
        %run_scoped3A_113 = tpu.sem_alloc : memref<!tpu.dma_semaphore, #tpu.memory_space<semaphore_mem>>
        %dma_start3A_114 = arith.constant 0 : i32
        %dma_start3A_115 = tpu.memref_slice %arg8[%add3A_98, %dma_start3A_114] : memref<40x128xi32, #tpu.memory_space<vmem>> -> memref<1x128xi32, #tpu.memory_space<vmem>>
        %dma_start3A_116 = tpu.memref_squeeze %dma_start3A_115 : memref<1x128xi32, #tpu.memory_space<vmem>> -> memref<128xi32, #tpu.memory_space<vmem>>
        %dma_start3A_117 = arith.constant 0 : i32
        %dma_start3A_118 = arith.constant 0 : i32
        %dma_start3A_119 = tpu.memref_slice %arg13[%dma_start3A_117, %dma_start3A_118] : memref<10112x128xf32, #tpu.memory_space<vmem_shared>> -> memref<10112x128xf32, #tpu.memory_space<vmem_shared>>
        tpu.enqueue_indirect_dma source(%arg10 : memref<128x128xf32, #tpu.memory_space<vmem>>) target(%dma_start3A_119 : memref<10112x128xf32, #tpu.memory_space<vmem_shared>>) offsets(%dma_start3A_116 : memref<128xi32, #tpu.memory_space<vmem>>) semaphore(%run_scoped3A_113 : memref<!tpu.dma_semaphore, #tpu.memory_space<semaphore_mem>>) {add = true}
        %dma_wait3A_120 = arith.constant 0 : i32
        %dma_wait3A_121 = tpu.memref_slice %arg8[%add3A_98, %dma_wait3A_120] : memref<40x128xi32, #tpu.memory_space<vmem>> -> memref<1x128xi32, #tpu.memory_space<vmem>>
        %dma_wait3A_122 = tpu.memref_squeeze %dma_wait3A_121 : memref<1x128xi32, #tpu.memory_space<vmem>> -> memref<128xi32, #tpu.memory_space<vmem>>
        %dma_wait3A_123 = arith.constant 0 : i32
        %dma_wait3A_124 = arith.constant 0 : i32
        %dma_wait3A_125 = tpu.memref_slice %arg13[%dma_wait3A_123, %dma_wait3A_124] : memref<10112x128xf32, #tpu.memory_space<vmem_shared>> -> memref<10112x128xf32, #tpu.memory_space<vmem_shared>>
        tpu.wait_indirect_dma semaphore(%run_scoped3A_113 : memref<!tpu.dma_semaphore, #tpu.memory_space<semaphore_mem>>) src(%arg10 : memref<128x128xf32, #tpu.memory_space<vmem>>) dst(%dma_wait3A_125 : memref<10112x128xf32, #tpu.memory_space<vmem_shared>>)
        tpu.yield
      }) : () -> ()
      %add3A_105 = arith.constant 2 : i32
      %add3A_106 = arith.addi %add3A_98, %add3A_105 : i32
      %dma_start3A_107 = arith.constant 0 : i32
      %dma_start3A_108 = tpu.memref_slice %arg7[%add3A_106, %dma_start3A_107] : memref<40x128xi32, #tpu.memory_space<vmem>> -> memref<1x128xi32, #tpu.memory_space<vmem>>
      %dma_start3A_109 = tpu.memref_squeeze %dma_start3A_108 : memref<1x128xi32, #tpu.memory_space<vmem>> -> memref<128xi32, #tpu.memory_space<vmem>>
      %dma_start3A_110 = arith.constant 0 : i32
      %dma_start3A_111 = arith.constant 0 : i32
      %dma_start3A_112 = tpu.memref_slice %arg2[%dma_start3A_110, %dma_start3A_111] : memref<10000x128xf32, #tpu.memory_space<hbm>> -> memref<10000x128xf32, #tpu.memory_space<hbm>>
      tpu.enqueue_indirect_dma source(%dma_start3A_112 : memref<10000x128xf32, #tpu.memory_space<hbm>>) target(%arg10 : memref<128x128xf32, #tpu.memory_space<vmem>>) offsets(%dma_start3A_109 : memref<128xi32, #tpu.memory_space<vmem>>) semaphore(%arg12 : memref<!tpu.dma_semaphore, #tpu.memory_space<semaphore_mem>>)
    }
    %scan3A_23 = arith.constant 19 : i32
    %dma_wait3A = arith.constant 38 : i32
    %dma_wait3A_24 = arith.constant 0 : i32
    %dma_wait3A_25 = tpu.memref_slice %arg7[%dma_wait3A, %dma_wait3A_24] : memref<40x128xi32, #tpu.memory_space<vmem>> -> memref<1x128xi32, #tpu.memory_space<vmem>>
    %dma_wait3A_26 = tpu.memref_squeeze %dma_wait3A_25 : memref<1x128xi32, #tpu.memory_space<vmem>> -> memref<128xi32, #tpu.memory_space<vmem>>
    %dma_wait3A_27 = arith.constant 0 : i32
    %dma_wait3A_28 = arith.constant 0 : i32
    %dma_wait3A_29 = tpu.memref_slice %arg2[%dma_wait3A_27, %dma_wait3A_28] : memref<10000x128xf32, #tpu.memory_space<hbm>> -> memref<10000x128xf32, #tpu.memory_space<hbm>>
    tpu.wait_indirect_dma semaphore(%arg11 : memref<!tpu.dma_semaphore, #tpu.memory_space<semaphore_mem>>) src(%dma_wait3A_29 : memref<10000x128xf32, #tpu.memory_space<hbm>>) dst(%arg9 : memref<128x128xf32, #tpu.memory_space<vmem>>)
    %run_scoped3A = arith.constant 38 : i32
    "tpu.region"() ({
      %run_scoped3A_76 = tpu.sem_alloc : memref<!tpu.dma_semaphore, #tpu.memory_space<semaphore_mem>>
      %dma_start3A_77 = arith.constant 0 : i32
      %dma_start3A_78 = tpu.memref_slice %arg8[%run_scoped3A, %dma_start3A_77] : memref<40x128xi32, #tpu.memory_space<vmem>> -> memref<1x128xi32, #tpu.memory_space<vmem>>
      %dma_start3A_79 = tpu.memref_squeeze %dma_start3A_78 : memref<1x128xi32, #tpu.memory_space<vmem>> -> memref<128xi32, #tpu.memory_space<vmem>>
      %dma_start3A_80 = arith.constant 0 : i32
      %dma_start3A_81 = arith.constant 0 : i32
      %dma_start3A_82 = tpu.memref_slice %arg13[%dma_start3A_80, %dma_start3A_81] : memref<10112x128xf32, #tpu.memory_space<vmem_shared>> -> memref<10112x128xf32, #tpu.memory_space<vmem_shared>>
      tpu.enqueue_indirect_dma source(%arg9 : memref<128x128xf32, #tpu.memory_space<vmem>>) target(%dma_start3A_82 : memref<10112x128xf32, #tpu.memory_space<vmem_shared>>) offsets(%dma_start3A_79 : memref<128xi32, #tpu.memory_space<vmem>>) semaphore(%run_scoped3A_76 : memref<!tpu.dma_semaphore, #tpu.memory_space<semaphore_mem>>) {add = true}
      %dma_wait3A_83 = arith.constant 0 : i32
      %dma_wait3A_84 = tpu.memref_slice %arg8[%run_scoped3A, %dma_wait3A_83] : memref<40x128xi32, #tpu.memory_space<vmem>> -> memref<1x128xi32, #tpu.memory_space<vmem>>
      %dma_wait3A_85 = tpu.memref_squeeze %dma_wait3A_84 : memref<1x128xi32, #tpu.memory_space<vmem>> -> memref<128xi32, #tpu.memory_space<vmem>>
      %dma_wait3A_86 = arith.constant 0 : i32
      %dma_wait3A_87 = arith.constant 0 : i32
      %dma_wait3A_88 = tpu.memref_slice %arg13[%dma_wait3A_86, %dma_wait3A_87] : memref<10112x128xf32, #tpu.memory_space<vmem_shared>> -> memref<10112x128xf32, #tpu.memory_space<vmem_shared>>
      tpu.wait_indirect_dma semaphore(%run_scoped3A_76 : memref<!tpu.dma_semaphore, #tpu.memory_space<semaphore_mem>>) src(%arg9 : memref<128x128xf32, #tpu.memory_space<vmem>>) dst(%dma_wait3A_88 : memref<10112x128xf32, #tpu.memory_space<vmem_shared>>)
      tpu.yield
    }) : () -> ()
    %dma_wait3A_30 = arith.constant 39 : i32
    %dma_wait3A_31 = arith.constant 0 : i32
    %dma_wait3A_32 = tpu.memref_slice %arg7[%dma_wait3A_30, %dma_wait3A_31] : memref<40x128xi32, #tpu.memory_space<vmem>> -> memref<1x128xi32, #tpu.memory_space<vmem>>
    %dma_wait3A_33 = tpu.memref_squeeze %dma_wait3A_32 : memref<1x128xi32, #tpu.memory_space<vmem>> -> memref<128xi32, #tpu.memory_space<vmem>>
    %dma_wait3A_34 = arith.constant 0 : i32
    %dma_wait3A_35 = arith.constant 0 : i32
    %dma_wait3A_36 = tpu.memref_slice %arg2[%dma_wait3A_34, %dma_wait3A_35] : memref<10000x128xf32, #tpu.memory_space<hbm>> -> memref<10000x128xf32, #tpu.memory_space<hbm>>
    tpu.wait_indirect_dma semaphore(%arg12 : memref<!tpu.dma_semaphore, #tpu.memory_space<semaphore_mem>>) src(%dma_wait3A_36 : memref<10000x128xf32, #tpu.memory_space<hbm>>) dst(%arg10 : memref<128x128xf32, #tpu.memory_space<vmem>>)
    %run_scoped3A_37 = arith.constant 39 : i32
    "tpu.region"() ({
      %run_scoped3A_76 = tpu.sem_alloc : memref<!tpu.dma_semaphore, #tpu.memory_space<semaphore_mem>>
      %dma_start3A_77 = arith.constant 0 : i32
      %dma_start3A_78 = tpu.memref_slice %arg8[%run_scoped3A_37, %dma_start3A_77] : memref<40x128xi32, #tpu.memory_space<vmem>> -> memref<1x128xi32, #tpu.memory_space<vmem>>
      %dma_start3A_79 = tpu.memref_squeeze %dma_start3A_78 : memref<1x128xi32, #tpu.memory_space<vmem>> -> memref<128xi32, #tpu.memory_space<vmem>>
      %dma_start3A_80 = arith.constant 0 : i32
      %dma_start3A_81 = arith.constant 0 : i32
      %dma_start3A_82 = tpu.memref_slice %arg13[%dma_start3A_80, %dma_start3A_81] : memref<10112x128xf32, #tpu.memory_space<vmem_shared>> -> memref<10112x128xf32, #tpu.memory_space<vmem_shared>>
      tpu.enqueue_indirect_dma source(%arg10 : memref<128x128xf32, #tpu.memory_space<vmem>>) target(%dma_start3A_82 : memref<10112x128xf32, #tpu.memory_space<vmem_shared>>) offsets(%dma_start3A_79 : memref<128xi32, #tpu.memory_space<vmem>>) semaphore(%run_scoped3A_76 : memref<!tpu.dma_semaphore, #tpu.memory_space<semaphore_mem>>) {add = true}
      %dma_wait3A_83 = arith.constant 0 : i32
      %dma_wait3A_84 = tpu.memref_slice %arg8[%run_scoped3A_37, %dma_wait3A_83] : memref<40x128xi32, #tpu.memory_space<vmem>> -> memref<1x128xi32, #tpu.memory_space<vmem>>
      %dma_wait3A_85 = tpu.memref_squeeze %dma_wait3A_84 : memref<1x128xi32, #tpu.memory_space<vmem>> -> memref<128xi32, #tpu.memory_space<vmem>>
      %dma_wait3A_86 = arith.constant 0 : i32
      %dma_wait3A_87 = arith.constant 0 : i32
      %dma_wait3A_88 = tpu.memref_slice %arg13[%dma_wait3A_86, %dma_wait3A_87] : memref<10112x128xf32, #tpu.memory_space<vmem_shared>> -> memref<10112x128xf32, #tpu.memory_space<vmem_shared>>
      tpu.wait_indirect_dma semaphore(%run_scoped3A_76 : memref<!tpu.dma_semaphore, #tpu.memory_space<semaphore_mem>>) src(%arg10 : memref<128x128xf32, #tpu.memory_space<vmem>>) dst(%dma_wait3A_88 : memref<10112x128xf32, #tpu.memory_space<vmem_shared>>)
      tpu.yield
    }) : () -> ()
    %add3A_38 = arith.constant 40 : i32
    %add3A_39 = arith.addi %mul3A_4, %add3A_38 : i32
    "tpu.region"() ({
      %run_scoped3A_76 = tpu.sem_alloc : memref<!tpu.dma_semaphore, #tpu.memory_space<semaphore_mem>>
      %dma_start3A_77 = arith.constant 0 : i32
      %dma_start3A_78 = tpu.memref_slice %arg3[%add3A_39, %dma_start3A_77] : memref<2560x128xi32, #tpu.memory_space<hbm>> -> memref<40x128xi32, #tpu.memory_space<hbm>>
      %dma_start3A_79 = arith.constant 0 : i32
      %dma_start3A_80 = tpu.memref_slice %arg3[%add3A_39, %dma_start3A_79] : memref<2560x128xi32, #tpu.memory_space<hbm>> -> memref<40x128xi32, #tpu.memory_space<hbm>>
      tpu.enqueue_dma source(%dma_start3A_80 : memref<40x128xi32, #tpu.memory_space<hbm>>) target(%arg7 : memref<40x128xi32, #tpu.memory_space<vmem>>) target_semaphore(%run_scoped3A_76 : memref<!tpu.dma_semaphore, #tpu.memory_space<semaphore_mem>>)
      %dma_wait3A_81 = arith.constant 0 : i32
      %dma_wait3A_82 = tpu.memref_slice %arg3[%add3A_39, %dma_wait3A_81] : memref<2560x128xi32, #tpu.memory_space<hbm>> -> memref<40x128xi32, #tpu.memory_space<hbm>>
      %dma_wait3A_83 = arith.constant 0 : i32
      %dma_wait3A_84 = tpu.memref_slice %arg3[%add3A_39, %dma_wait3A_83] : memref<2560x128xi32, #tpu.memory_space<hbm>> -> memref<40x128xi32, #tpu.memory_space<hbm>>
      tpu.wait_dma2 semaphore(%run_scoped3A_76 : memref<!tpu.dma_semaphore, #tpu.memory_space<semaphore_mem>>) src(%dma_wait3A_84 : memref<40x128xi32, #tpu.memory_space<hbm>>) dst(%arg7 : memref<40x128xi32, #tpu.memory_space<vmem>>)
      tpu.yield
    }) : () -> ()
    "tpu.region"() ({
      %run_scoped3A_76 = tpu.sem_alloc : memref<!tpu.dma_semaphore, #tpu.memory_space<semaphore_mem>>
      %dma_start3A_77 = arith.constant 0 : i32
      %dma_start3A_78 = tpu.memref_slice %arg4[%add3A_39, %dma_start3A_77] : memref<2560x128xi32, #tpu.memory_space<hbm>> -> memref<40x128xi32, #tpu.memory_space<hbm>>
      %dma_start3A_79 = arith.constant 0 : i32
      %dma_start3A_80 = tpu.memref_slice %arg4[%add3A_39, %dma_start3A_79] : memref<2560x128xi32, #tpu.memory_space<hbm>> -> memref<40x128xi32, #tpu.memory_space<hbm>>
      tpu.enqueue_dma source(%dma_start3A_80 : memref<40x128xi32, #tpu.memory_space<hbm>>) target(%arg8 : memref<40x128xi32, #tpu.memory_space<vmem>>) target_semaphore(%run_scoped3A_76 : memref<!tpu.dma_semaphore, #tpu.memory_space<semaphore_mem>>)
      %dma_wait3A_81 = arith.constant 0 : i32
      %dma_wait3A_82 = tpu.memref_slice %arg4[%add3A_39, %dma_wait3A_81] : memref<2560x128xi32, #tpu.memory_space<hbm>> -> memref<40x128xi32, #tpu.memory_space<hbm>>
      %dma_wait3A_83 = arith.constant 0 : i32
      %dma_wait3A_84 = tpu.memref_slice %arg4[%add3A_39, %dma_wait3A_83] : memref<2560x128xi32, #tpu.memory_space<hbm>> -> memref<40x128xi32, #tpu.memory_space<hbm>>
      tpu.wait_dma2 semaphore(%run_scoped3A_76 : memref<!tpu.dma_semaphore, #tpu.memory_space<semaphore_mem>>) src(%dma_wait3A_84 : memref<40x128xi32, #tpu.memory_space<hbm>>) dst(%arg8 : memref<40x128xi32, #tpu.memory_space<vmem>>)
      tpu.yield
    }) : () -> ()
    %dma_start3A_40 = arith.constant 0 : i32
    %dma_start3A_41 = arith.constant 0 : i32
    %dma_start3A_42 = tpu.memref_slice %arg7[%dma_start3A_40, %dma_start3A_41] : memref<40x128xi32, #tpu.memory_space<vmem>> -> memref<1x128xi32, #tpu.memory_space<vmem>>
    %dma_start3A_43 = tpu.memref_squeeze %dma_start3A_42 : memref<1x128xi32, #tpu.memory_space<vmem>> -> memref<128xi32, #tpu.memory_space<vmem>>
    %dma_start3A_44 = arith.constant 0 : i32
    %dma_start3A_45 = arith.constant 0 : i32
    %dma_start3A_46 = tpu.memref_slice %arg2[%dma_start3A_44, %dma_start3A_45] : memref<10000x128xf32, #tpu.memory_space<hbm>> -> memref<10000x128xf32, #tpu.memory_space<hbm>>
    tpu.enqueue_indirect_dma source(%dma_start3A_46 : memref<10000x128xf32, #tpu.memory_space<hbm>>) target(%arg9 : memref<128x128xf32, #tpu.memory_space<vmem>>) offsets(%dma_start3A_43 : memref<128xi32, #tpu.memory_space<vmem>>) semaphore(%arg11 : memref<!tpu.dma_semaphore, #tpu.memory_space<semaphore_mem>>)
    %dma_start3A_47 = arith.constant 1 : i32
    %dma_start3A_48 = arith.constant 0 : i32
    %dma_start3A_49 = tpu.memref_slice %arg7[%dma_start3A_47, %dma_start3A_48] : memref<40x128xi32, #tpu.memory_space<vmem>> -> memref<1x128xi32, #tpu.memory_space<vmem>>
    %dma_start3A_50 = tpu.memref_squeeze %dma_start3A_49 : memref<1x128xi32, #tpu.memory_space<vmem>> -> memref<128xi32, #tpu.memory_space<vmem>>
    %dma_start3A_51 = arith.constant 0 : i32
    %dma_start3A_52 = arith.constant 0 : i32
    %dma_start3A_53 = tpu.memref_slice %arg2[%dma_start3A_51, %dma_start3A_52] : memref<10000x128xf32, #tpu.memory_space<hbm>> -> memref<10000x128xf32, #tpu.memory_space<hbm>>
    tpu.enqueue_indirect_dma source(%dma_start3A_53 : memref<10000x128xf32, #tpu.memory_space<hbm>>) target(%arg10 : memref<128x128xf32, #tpu.memory_space<vmem>>) offsets(%dma_start3A_50 : memref<128xi32, #tpu.memory_space<vmem>>) semaphore(%arg12 : memref<!tpu.dma_semaphore, #tpu.memory_space<semaphore_mem>>)
    %scan3A_54 = arith.constant 0 : i32
    %scan3A_55 = arith.constant 19 : i32
    %scan3A_56 = arith.addi %scan3A_54, %scan3A_55 : i32
    %scan3A_57 = arith.constant 1 : i32
    scf.for %scan3A_76 = %scan3A_54 to %scan3A_56 step %scan3A_57  : i32 {
      %mul3A_77 = arith.constant 2 : i32
      %mul3A_78 = arith.muli %scan3A_76, %mul3A_77 : i32
      %add3A_79 = arith.constant 0 : i32
      %add3A_80 = arith.addi %add3A_79, %mul3A_78 : i32
      %add3A_81 = arith.constant 0 : i32
      %add3A_82 = arith.addi %add3A_80, %add3A_81 : i32
      %dma_wait3A_83 = arith.constant 0 : i32
      %dma_wait3A_84 = tpu.memref_slice %arg7[%add3A_82, %dma_wait3A_83] : memref<40x128xi32, #tpu.memory_space<vmem>> -> memref<1x128xi32, #tpu.memory_space<vmem>>
      %dma_wait3A_85 = tpu.memref_squeeze %dma_wait3A_84 : memref<1x128xi32, #tpu.memory_space<vmem>> -> memref<128xi32, #tpu.memory_space<vmem>>
      %dma_wait3A_86 = arith.constant 0 : i32
      %dma_wait3A_87 = arith.constant 0 : i32
      %dma_wait3A_88 = tpu.memref_slice %arg2[%dma_wait3A_86, %dma_wait3A_87] : memref<10000x128xf32, #tpu.memory_space<hbm>> -> memref<10000x128xf32, #tpu.memory_space<hbm>>
      tpu.wait_indirect_dma semaphore(%arg11 : memref<!tpu.dma_semaphore, #tpu.memory_space<semaphore_mem>>) src(%dma_wait3A_88 : memref<10000x128xf32, #tpu.memory_space<hbm>>) dst(%arg9 : memref<128x128xf32, #tpu.memory_space<vmem>>)
      "tpu.region"() ({
        %run_scoped3A_113 = tpu.sem_alloc : memref<!tpu.dma_semaphore, #tpu.memory_space<semaphore_mem>>
        %dma_start3A_114 = arith.constant 0 : i32
        %dma_start3A_115 = tpu.memref_slice %arg8[%add3A_82, %dma_start3A_114] : memref<40x128xi32, #tpu.memory_space<vmem>> -> memref<1x128xi32, #tpu.memory_space<vmem>>
        %dma_start3A_116 = tpu.memref_squeeze %dma_start3A_115 : memref<1x128xi32, #tpu.memory_space<vmem>> -> memref<128xi32, #tpu.memory_space<vmem>>
        %dma_start3A_117 = arith.constant 0 : i32
        %dma_start3A_118 = arith.constant 0 : i32
        %dma_start3A_119 = tpu.memref_slice %arg13[%dma_start3A_117, %dma_start3A_118] : memref<10112x128xf32, #tpu.memory_space<vmem_shared>> -> memref<10112x128xf32, #tpu.memory_space<vmem_shared>>
        tpu.enqueue_indirect_dma source(%arg9 : memref<128x128xf32, #tpu.memory_space<vmem>>) target(%dma_start3A_119 : memref<10112x128xf32, #tpu.memory_space<vmem_shared>>) offsets(%dma_start3A_116 : memref<128xi32, #tpu.memory_space<vmem>>) semaphore(%run_scoped3A_113 : memref<!tpu.dma_semaphore, #tpu.memory_space<semaphore_mem>>) {add = true}
        %dma_wait3A_120 = arith.constant 0 : i32
        %dma_wait3A_121 = tpu.memref_slice %arg8[%add3A_82, %dma_wait3A_120] : memref<40x128xi32, #tpu.memory_space<vmem>> -> memref<1x128xi32, #tpu.memory_space<vmem>>
        %dma_wait3A_122 = tpu.memref_squeeze %dma_wait3A_121 : memref<1x128xi32, #tpu.memory_space<vmem>> -> memref<128xi32, #tpu.memory_space<vmem>>
        %dma_wait3A_123 = arith.constant 0 : i32
        %dma_wait3A_124 = arith.constant 0 : i32
        %dma_wait3A_125 = tpu.memref_slice %arg13[%dma_wait3A_123, %dma_wait3A_124] : memref<10112x128xf32, #tpu.memory_space<vmem_shared>> -> memref<10112x128xf32, #tpu.memory_space<vmem_shared>>
        tpu.wait_indirect_dma semaphore(%run_scoped3A_113 : memref<!tpu.dma_semaphore, #tpu.memory_space<semaphore_mem>>) src(%arg9 : memref<128x128xf32, #tpu.memory_space<vmem>>) dst(%dma_wait3A_125 : memref<10112x128xf32, #tpu.memory_space<vmem_shared>>)
        tpu.yield
      }) : () -> ()
      %add3A_89 = arith.constant 2 : i32
      %add3A_90 = arith.addi %add3A_82, %add3A_89 : i32
      %dma_start3A_91 = arith.constant 0 : i32
      %dma_start3A_92 = tpu.memref_slice %arg7[%add3A_90, %dma_start3A_91] : memref<40x128xi32, #tpu.memory_space<vmem>> -> memref<1x128xi32, #tpu.memory_space<vmem>>
      %dma_start3A_93 = tpu.memref_squeeze %dma_start3A_92 : memref<1x128xi32, #tpu.memory_space<vmem>> -> memref<128xi32, #tpu.memory_space<vmem>>
      %dma_start3A_94 = arith.constant 0 : i32
      %dma_start3A_95 = arith.constant 0 : i32
      %dma_start3A_96 = tpu.memref_slice %arg2[%dma_start3A_94, %dma_start3A_95] : memref<10000x128xf32, #tpu.memory_space<hbm>> -> memref<10000x128xf32, #tpu.memory_space<hbm>>
      tpu.enqueue_indirect_dma source(%dma_start3A_96 : memref<10000x128xf32, #tpu.memory_space<hbm>>) target(%arg9 : memref<128x128xf32, #tpu.memory_space<vmem>>) offsets(%dma_start3A_93 : memref<128xi32, #tpu.memory_space<vmem>>) semaphore(%arg11 : memref<!tpu.dma_semaphore, #tpu.memory_space<semaphore_mem>>)
      %add3A_97 = arith.constant 1 : i32
      %add3A_98 = arith.addi %add3A_80, %add3A_97 : i32
      %dma_wait3A_99 = arith.constant 0 : i32
      %dma_wait3A_100 = tpu.memref_slice %arg7[%add3A_98, %dma_wait3A_99] : memref<40x128xi32, #tpu.memory_space<vmem>> -> memref<1x128xi32, #tpu.memory_space<vmem>>
      %dma_wait3A_101 = tpu.memref_squeeze %dma_wait3A_100 : memref<1x128xi32, #tpu.memory_space<vmem>> -> memref<128xi32, #tpu.memory_space<vmem>>
      %dma_wait3A_102 = arith.constant 0 : i32
      %dma_wait3A_103 = arith.constant 0 : i32
      %dma_wait3A_104 = tpu.memref_slice %arg2[%dma_wait3A_102, %dma_wait3A_103] : memref<10000x128xf32, #tpu.memory_space<hbm>> -> memref<10000x128xf32, #tpu.memory_space<hbm>>
      tpu.wait_indirect_dma semaphore(%arg12 : memref<!tpu.dma_semaphore, #tpu.memory_space<semaphore_mem>>) src(%dma_wait3A_104 : memref<10000x128xf32, #tpu.memory_space<hbm>>) dst(%arg10 : memref<128x128xf32, #tpu.memory_space<vmem>>)
      "tpu.region"() ({
        %run_scoped3A_113 = tpu.sem_alloc : memref<!tpu.dma_semaphore, #tpu.memory_space<semaphore_mem>>
        %dma_start3A_114 = arith.constant 0 : i32
        %dma_start3A_115 = tpu.memref_slice %arg8[%add3A_98, %dma_start3A_114] : memref<40x128xi32, #tpu.memory_space<vmem>> -> memref<1x128xi32, #tpu.memory_space<vmem>>
        %dma_start3A_116 = tpu.memref_squeeze %dma_start3A_115 : memref<1x128xi32, #tpu.memory_space<vmem>> -> memref<128xi32, #tpu.memory_space<vmem>>
        %dma_start3A_117 = arith.constant 0 : i32
        %dma_start3A_118 = arith.constant 0 : i32
        %dma_start3A_119 = tpu.memref_slice %arg13[%dma_start3A_117, %dma_start3A_118] : memref<10112x128xf32, #tpu.memory_space<vmem_shared>> -> memref<10112x128xf32, #tpu.memory_space<vmem_shared>>
        tpu.enqueue_indirect_dma source(%arg10 : memref<128x128xf32, #tpu.memory_space<vmem>>) target(%dma_start3A_119 : memref<10112x128xf32, #tpu.memory_space<vmem_shared>>) offsets(%dma_start3A_116 : memref<128xi32, #tpu.memory_space<vmem>>) semaphore(%run_scoped3A_113 : memref<!tpu.dma_semaphore, #tpu.memory_space<semaphore_mem>>) {add = true}
        %dma_wait3A_120 = arith.constant 0 : i32
        %dma_wait3A_121 = tpu.memref_slice %arg8[%add3A_98, %dma_wait3A_120] : memref<40x128xi32, #tpu.memory_space<vmem>> -> memref<1x128xi32, #tpu.memory_space<vmem>>
        %dma_wait3A_122 = tpu.memref_squeeze %dma_wait3A_121 : memref<1x128xi32, #tpu.memory_space<vmem>> -> memref<128xi32, #tpu.memory_space<vmem>>
        %dma_wait3A_123 = arith.constant 0 : i32
        %dma_wait3A_124 = arith.constant 0 : i32
        %dma_wait3A_125 = tpu.memref_slice %arg13[%dma_wait3A_123, %dma_wait3A_124] : memref<10112x128xf32, #tpu.memory_space<vmem_shared>> -> memref<10112x128xf32, #tpu.memory_space<vmem_shared>>
        tpu.wait_indirect_dma semaphore(%run_scoped3A_113 : memref<!tpu.dma_semaphore, #tpu.memory_space<semaphore_mem>>) src(%arg10 : memref<128x128xf32, #tpu.memory_space<vmem>>) dst(%dma_wait3A_125 : memref<10112x128xf32, #tpu.memory_space<vmem_shared>>)
        tpu.yield
      }) : () -> ()
      %add3A_105 = arith.constant 2 : i32
      %add3A_106 = arith.addi %add3A_98, %add3A_105 : i32
      %dma_start3A_107 = arith.constant 0 : i32
      %dma_start3A_108 = tpu.memref_slice %arg7[%add3A_106, %dma_start3A_107] : memref<40x128xi32, #tpu.memory_space<vmem>> -> memref<1x128xi32, #tpu.memory_space<vmem>>
      %dma_start3A_109 = tpu.memref_squeeze %dma_start3A_108 : memref<1x128xi32, #tpu.memory_space<vmem>> -> memref<128xi32, #tpu.memory_space<vmem>>
      %dma_start3A_110 = arith.constant 0 : i32
      %dma_start3A_111 = arith.constant 0 : i32
      %dma_start3A_112 = tpu.memref_slice %arg2[%dma_start3A_110, %dma_start3A_111] : memref<10000x128xf32, #tpu.memory_space<hbm>> -> memref<10000x128xf32, #tpu.memory_space<hbm>>
      tpu.enqueue_indirect_dma source(%dma_start3A_112 : memref<10000x128xf32, #tpu.memory_space<hbm>>) target(%arg10 : memref<128x128xf32, #tpu.memory_space<vmem>>) offsets(%dma_start3A_109 : memref<128xi32, #tpu.memory_space<vmem>>) semaphore(%arg12 : memref<!tpu.dma_semaphore, #tpu.memory_space<semaphore_mem>>)
    }
    %scan3A_58 = arith.constant 19 : i32
    %dma_wait3A_59 = arith.constant 38 : i32
    %dma_wait3A_60 = arith.constant 0 : i32
    %dma_wait3A_61 = tpu.memref_slice %arg7[%dma_wait3A_59, %dma_wait3A_60] : memref<40x128xi32, #tpu.memory_space<vmem>> -> memref<1x128xi32, #tpu.memory_space<vmem>>
    %dma_wait3A_62 = tpu.memref_squeeze %dma_wait3A_61 : memref<1x128xi32, #tpu.memory_space<vmem>> -> memref<128xi32, #tpu.memory_space<vmem>>
    %dma_wait3A_63 = arith.constant 0 : i32
    %dma_wait3A_64 = arith.constant 0 : i32
    %dma_wait3A_65 = tpu.memref_slice %arg2[%dma_wait3A_63, %dma_wait3A_64] : memref<10000x128xf32, #tpu.memory_space<hbm>> -> memref<10000x128xf32, #tpu.memory_space<hbm>>
    tpu.wait_indirect_dma semaphore(%arg11 : memref<!tpu.dma_semaphore, #tpu.memory_space<semaphore_mem>>) src(%dma_wait3A_65 : memref<10000x128xf32, #tpu.memory_space<hbm>>) dst(%arg9 : memref<128x128xf32, #tpu.memory_space<vmem>>)
    %run_scoped3A_66 = arith.constant 38 : i32
    "tpu.region"() ({
      %run_scoped3A_76 = tpu.sem_alloc : memref<!tpu.dma_semaphore, #tpu.memory_space<semaphore_mem>>
      %dma_start3A_77 = arith.constant 0 : i32
      %dma_start3A_78 = tpu.memref_slice %arg8[%run_scoped3A_66, %dma_start3A_77] : memref<40x128xi32, #tpu.memory_space<vmem>> -> memref<1x128xi32, #tpu.memory_space<vmem>>
      %dma_start3A_79 = tpu.memref_squeeze %dma_start3A_78 : memref<1x128xi32, #tpu.memory_space<vmem>> -> memref<128xi32, #tpu.memory_space<vmem>>
      %dma_start3A_80 = arith.constant 0 : i32
      %dma_start3A_81 = arith.constant 0 : i32
      %dma_start3A_82 = tpu.memref_slice %arg13[%dma_start3A_80, %dma_start3A_81] : memref<10112x128xf32, #tpu.memory_space<vmem_shared>> -> memref<10112x128xf32, #tpu.memory_space<vmem_shared>>
      tpu.enqueue_indirect_dma source(%arg9 : memref<128x128xf32, #tpu.memory_space<vmem>>) target(%dma_start3A_82 : memref<10112x128xf32, #tpu.memory_space<vmem_shared>>) offsets(%dma_start3A_79 : memref<128xi32, #tpu.memory_space<vmem>>) semaphore(%run_scoped3A_76 : memref<!tpu.dma_semaphore, #tpu.memory_space<semaphore_mem>>) {add = true}
      %dma_wait3A_83 = arith.constant 0 : i32
      %dma_wait3A_84 = tpu.memref_slice %arg8[%run_scoped3A_66, %dma_wait3A_83] : memref<40x128xi32, #tpu.memory_space<vmem>> -> memref<1x128xi32, #tpu.memory_space<vmem>>
      %dma_wait3A_85 = tpu.memref_squeeze %dma_wait3A_84 : memref<1x128xi32, #tpu.memory_space<vmem>> -> memref<128xi32, #tpu.memory_space<vmem>>
      %dma_wait3A_86 = arith.constant 0 : i32
      %dma_wait3A_87 = arith.constant 0 : i32
      %dma_wait3A_88 = tpu.memref_slice %arg13[%dma_wait3A_86, %dma_wait3A_87] : memref<10112x128xf32, #tpu.memory_space<vmem_shared>> -> memref<10112x128xf32, #tpu.memory_space<vmem_shared>>
      tpu.wait_indirect_dma semaphore(%run_scoped3A_76 : memref<!tpu.dma_semaphore, #tpu.memory_space<semaphore_mem>>) src(%arg9 : memref<128x128xf32, #tpu.memory_space<vmem>>) dst(%dma_wait3A_88 : memref<10112x128xf32, #tpu.memory_space<vmem_shared>>)
      tpu.yield
    }) : () -> ()
    %dma_wait3A_67 = arith.constant 39 : i32
    %dma_wait3A_68 = arith.constant 0 : i32
    %dma_wait3A_69 = tpu.memref_slice %arg7[%dma_wait3A_67, %dma_wait3A_68] : memref<40x128xi32, #tpu.memory_space<vmem>> -> memref<1x128xi32, #tpu.memory_space<vmem>>
    %dma_wait3A_70 = tpu.memref_squeeze %dma_wait3A_69 : memref<1x128xi32, #tpu.memory_space<vmem>> -> memref<128xi32, #tpu.memory_space<vmem>>
    %dma_wait3A_71 = arith.constant 0 : i32
    %dma_wait3A_72 = arith.constant 0 : i32
    %dma_wait3A_73 = tpu.memref_slice %arg2[%dma_wait3A_71, %dma_wait3A_72] : memref<10000x128xf32, #tpu.memory_space<hbm>> -> memref<10000x128xf32, #tpu.memory_space<hbm>>
    tpu.wait_indirect_dma semaphore(%arg12 : memref<!tpu.dma_semaphore, #tpu.memory_space<semaphore_mem>>) src(%dma_wait3A_73 : memref<10000x128xf32, #tpu.memory_space<hbm>>) dst(%arg10 : memref<128x128xf32, #tpu.memory_space<vmem>>)
    %run_scoped3A_74 = arith.constant 39 : i32
    "tpu.region"() ({
      %run_scoped3A_76 = tpu.sem_alloc : memref<!tpu.dma_semaphore, #tpu.memory_space<semaphore_mem>>
      %dma_start3A_77 = arith.constant 0 : i32
      %dma_start3A_78 = tpu.memref_slice %arg8[%run_scoped3A_74, %dma_start3A_77] : memref<40x128xi32, #tpu.memory_space<vmem>> -> memref<1x128xi32, #tpu.memory_space<vmem>>
      %dma_start3A_79 = tpu.memref_squeeze %dma_start3A_78 : memref<1x128xi32, #tpu.memory_space<vmem>> -> memref<128xi32, #tpu.memory_space<vmem>>
      %dma_start3A_80 = arith.constant 0 : i32
      %dma_start3A_81 = arith.constant 0 : i32
      %dma_start3A_82 = tpu.memref_slice %arg13[%dma_start3A_80, %dma_start3A_81] : memref<10112x128xf32, #tpu.memory_space<vmem_shared>> -> memref<10112x128xf32, #tpu.memory_space<vmem_shared>>
      tpu.enqueue_indirect_dma source(%arg10 : memref<128x128xf32, #tpu.memory_space<vmem>>) target(%dma_start3A_82 : memref<10112x128xf32, #tpu.memory_space<vmem_shared>>) offsets(%dma_start3A_79 : memref<128xi32, #tpu.memory_space<vmem>>) semaphore(%run_scoped3A_76 : memref<!tpu.dma_semaphore, #tpu.memory_space<semaphore_mem>>) {add = true}
      %dma_wait3A_83 = arith.constant 0 : i32
      %dma_wait3A_84 = tpu.memref_slice %arg8[%run_scoped3A_74, %dma_wait3A_83] : memref<40x128xi32, #tpu.memory_space<vmem>> -> memref<1x128xi32, #tpu.memory_space<vmem>>
      %dma_wait3A_85 = tpu.memref_squeeze %dma_wait3A_84 : memref<1x128xi32, #tpu.memory_space<vmem>> -> memref<128xi32, #tpu.memory_space<vmem>>
      %dma_wait3A_86 = arith.constant 0 : i32
      %dma_wait3A_87 = arith.constant 0 : i32
      %dma_wait3A_88 = tpu.memref_slice %arg13[%dma_wait3A_86, %dma_wait3A_87] : memref<10112x128xf32, #tpu.memory_space<vmem_shared>> -> memref<10112x128xf32, #tpu.memory_space<vmem_shared>>
      tpu.wait_indirect_dma semaphore(%run_scoped3A_76 : memref<!tpu.dma_semaphore, #tpu.memory_space<semaphore_mem>>) src(%arg10 : memref<128x128xf32, #tpu.memory_space<vmem>>) dst(%dma_wait3A_88 : memref<10112x128xf32, #tpu.memory_space<vmem_shared>>)
      tpu.yield
    }) : () -> ()
    %barrier3A_75 = arith.constant 0 : index
    tpu.barrier barrier_id(%barrier3A_75)
    "tpu.region"() ({
      %run_scoped3A_76 = tpu.sem_alloc : memref<!tpu.dma_semaphore, #tpu.memory_space<semaphore_mem>>
      %dma_start3A_77 = arith.constant 0 : i32
      %dma_start3A_78 = tpu.memref_slice %arg6[%arg0, %mul3A_2, %dma_start3A_77] : memref<2x10112x128xf32, #tpu.memory_space<hbm>> -> memref<1x632x128xf32, #tpu.memory_space<hbm>>
      %dma_start3A_79 = tpu.memref_squeeze %dma_start3A_78 : memref<1x632x128xf32, #tpu.memory_space<hbm>> -> memref<632x128xf32, #tpu.memory_space<hbm>>
      %dma_start3A_80 = arith.constant 0 : i32
      %dma_start3A_81 = tpu.memref_slice %arg13[%mul3A_2, %dma_start3A_80] : memref<10112x128xf32, #tpu.memory_space<vmem_shared>> -> memref<632x128xf32, #tpu.memory_space<vmem_shared>>
      tpu.enqueue_dma source(%dma_start3A_81 : memref<632x128xf32, #tpu.memory_space<vmem_shared>>) target(%dma_start3A_79 : memref<632x128xf32, #tpu.memory_space<hbm>>) target_semaphore(%run_scoped3A_76 : memref<!tpu.dma_semaphore, #tpu.memory_space<semaphore_mem>>)
      %dma_wait3A_82 = arith.constant 0 : i32
      %dma_wait3A_83 = tpu.memref_slice %arg6[%arg0, %mul3A_2, %dma_wait3A_82] : memref<2x10112x128xf32, #tpu.memory_space<hbm>> -> memref<1x632x128xf32, #tpu.memory_space<hbm>>
      %dma_wait3A_84 = tpu.memref_squeeze %dma_wait3A_83 : memref<1x632x128xf32, #tpu.memory_space<hbm>> -> memref<632x128xf32, #tpu.memory_space<hbm>>
      %dma_wait3A_85 = arith.constant 0 : i32
      %dma_wait3A_86 = tpu.memref_slice %arg13[%mul3A_2, %dma_wait3A_85] : memref<10112x128xf32, #tpu.memory_space<vmem_shared>> -> memref<632x128xf32, #tpu.memory_space<vmem_shared>>
      tpu.wait_dma2 semaphore(%run_scoped3A_76 : memref<!tpu.dma_semaphore, #tpu.memory_space<semaphore_mem>>) src(%dma_wait3A_86 : memref<632x128xf32, #tpu.memory_space<vmem_shared>>) dst(%dma_wait3A_84 : memref<632x128xf32, #tpu.memory_space<hbm>>)
      tpu.yield
    }) : () -> ()
    return
  }
}

#map = affine_map<(d0, d1) -> (0, 0)>
#map1 = affine_map<(d0, d1) -> (0, 0, 0)>
module attributes {stable_mosaic.version = 14 : i64} {
  func.func @_seg_sum_sc(%arg0: i32, %arg1: i32, %arg2: memref<10000x128xf32, #tpu.memory_space<hbm>>, %arg3: memref<2560x128xi32, #tpu.memory_space<hbm>>, %arg4: memref<2560x128xi32, #tpu.memory_space<hbm>>, %arg5: memref<10112x128xf32, #tpu.memory_space<hbm>>, %arg6: memref<2x10112x128xf32, #tpu.memory_space<hbm>>, %arg7: memref<40x128xi32, #tpu.memory_space<vmem>>, %arg8: memref<40x128xi32, #tpu.memory_space<vmem>>, %arg9: memref<128x128xf32, #tpu.memory_space<vmem>>, %arg10: memref<128x128xf32, #tpu.memory_space<vmem>>, %arg11: memref<!tpu.dma_semaphore, #tpu.memory_space<semaphore_mem>>, %arg12: memref<!tpu.dma_semaphore, #tpu.memory_space<semaphore_mem>>, %arg13: memref<10112x128xf32, #tpu.memory_space<vmem_shared>>) attributes {dimension_semantics = [#tpu.dimension_semantics<core_parallel>, #tpu.dimension_semantics<subcore_parallel>], iteration_bounds = array<i64: 2, 16>, scalar_prefetch = 0 : i64, scratch_operands = 7 : i64, tpu.core_type = #tpu.core_type<sc_vector_subcore>, window_params = [{transform_indices = #map}, {transform_indices = #map}, {transform_indices = #map}, {transform_indices = #map}, {transform_indices = #map1}]} {
    %mul3A = arith.constant 16 : i32
    %mul3A_0 = arith.muli %arg0, %mul3A : i32
    %add3A = arith.addi %mul3A_0, %arg1 : i32
    %mul3A_1 = arith.constant 632 : i32
    %mul3A_2 = arith.muli %arg1, %mul3A_1 : i32
    %mul3A_3 = arith.constant 80 : i32
    %mul3A_4 = arith.muli %add3A, %mul3A_3 : i32
    "tpu.region"() ({
      %run_scoped3A_76 = tpu.sem_alloc : memref<!tpu.dma_semaphore, #tpu.memory_space<semaphore_mem>>
      %dma_start3A_77 = arith.constant 0 : i32
      %dma_start3A_78 = tpu.memref_slice %arg13[%mul3A_2, %dma_start3A_77] : memref<10112x128xf32, #tpu.memory_space<vmem_shared>> -> memref<632x128xf32, #tpu.memory_space<vmem_shared>>
      %dma_start3A_79 = arith.constant 0 : i32
      %dma_start3A_80 = tpu.memref_slice %arg5[%mul3A_2, %dma_start3A_79] : memref<10112x128xf32, #tpu.memory_space<hbm>> -> memref<632x128xf32, #tpu.memory_space<hbm>>
      tpu.enqueue_dma source(%dma_start3A_80 : memref<632x128xf32, #tpu.memory_space<hbm>>) target(%dma_start3A_78 : memref<632x128xf32, #tpu.memory_space<vmem_shared>>) target_semaphore(%run_scoped3A_76 : memref<!tpu.dma_semaphore, #tpu.memory_space<semaphore_mem>>)
      %dma_wait3A_81 = arith.constant 0 : i32
      %dma_wait3A_82 = tpu.memref_slice %arg13[%mul3A_2, %dma_wait3A_81] : memref<10112x128xf32, #tpu.memory_space<vmem_shared>> -> memref<632x128xf32, #tpu.memory_space<vmem_shared>>
      %dma_wait3A_83 = arith.constant 0 : i32
      %dma_wait3A_84 = tpu.memref_slice %arg5[%mul3A_2, %dma_wait3A_83] : memref<10112x128xf32, #tpu.memory_space<hbm>> -> memref<632x128xf32, #tpu.memory_space<hbm>>
      tpu.wait_dma2 semaphore(%run_scoped3A_76 : memref<!tpu.dma_semaphore, #tpu.memory_space<semaphore_mem>>) src(%dma_wait3A_84 : memref<632x128xf32, #tpu.memory_space<hbm>>) dst(%dma_wait3A_82 : memref<632x128xf32, #tpu.memory_space<vmem_shared>>)
      tpu.yield
    }) : () -> ()
    %barrier3A = arith.constant 0 : index
    tpu.barrier barrier_id(%barrier3A)
    %add3A_5 = arith.constant 0 : i32
    %add3A_6 = arith.addi %mul3A_4, %add3A_5 : i32
    "tpu.region"() ({
      %run_scoped3A_76 = tpu.sem_alloc : memref<!tpu.dma_semaphore, #tpu.memory_space<semaphore_mem>>
      %dma_start3A_77 = arith.constant 0 : i32
      %dma_start3A_78 = tpu.memref_slice %arg3[%add3A_6, %dma_start3A_77] : memref<2560x128xi32, #tpu.memory_space<hbm>> -> memref<40x128xi32, #tpu.memory_space<hbm>>
      %dma_start3A_79 = arith.constant 0 : i32
      %dma_start3A_80 = tpu.memref_slice %arg3[%add3A_6, %dma_start3A_79] : memref<2560x128xi32, #tpu.memory_space<hbm>> -> memref<40x128xi32, #tpu.memory_space<hbm>>
      tpu.enqueue_dma source(%dma_start3A_80 : memref<40x128xi32, #tpu.memory_space<hbm>>) target(%arg7 : memref<40x128xi32, #tpu.memory_space<vmem>>) target_semaphore(%run_scoped3A_76 : memref<!tpu.dma_semaphore, #tpu.memory_space<semaphore_mem>>)
      %dma_wait3A_81 = arith.constant 0 : i32
      %dma_wait3A_82 = tpu.memref_slice %arg3[%add3A_6, %dma_wait3A_81] : memref<2560x128xi32, #tpu.memory_space<hbm>> -> memref<40x128xi32, #tpu.memory_space<hbm>>
      %dma_wait3A_83 = arith.constant 0 : i32
      %dma_wait3A_84 = tpu.memref_slice %arg3[%add3A_6, %dma_wait3A_83] : memref<2560x128xi32, #tpu.memory_space<hbm>> -> memref<40x128xi32, #tpu.memory_space<hbm>>
      tpu.wait_dma2 semaphore(%run_scoped3A_76 : memref<!tpu.dma_semaphore, #tpu.memory_space<semaphore_mem>>) src(%dma_wait3A_84 : memref<40x128xi32, #tpu.memory_space<hbm>>) dst(%arg7 : memref<40x128xi32, #tpu.memory_space<vmem>>)
      tpu.yield
    }) : () -> ()
    "tpu.region"() ({
      %run_scoped3A_76 = tpu.sem_alloc : memref<!tpu.dma_semaphore, #tpu.memory_space<semaphore_mem>>
      %dma_start3A_77 = arith.constant 0 : i32
      %dma_start3A_78 = tpu.memref_slice %arg4[%add3A_6, %dma_start3A_77] : memref<2560x128xi32, #tpu.memory_space<hbm>> -> memref<40x128xi32, #tpu.memory_space<hbm>>
      %dma_start3A_79 = arith.constant 0 : i32
      %dma_start3A_80 = tpu.memref_slice %arg4[%add3A_6, %dma_start3A_79] : memref<2560x128xi32, #tpu.memory_space<hbm>> -> memref<40x128xi32, #tpu.memory_space<hbm>>
      tpu.enqueue_dma source(%dma_start3A_80 : memref<40x128xi32, #tpu.memory_space<hbm>>) target(%arg8 : memref<40x128xi32, #tpu.memory_space<vmem>>) target_semaphore(%run_scoped3A_76 : memref<!tpu.dma_semaphore, #tpu.memory_space<semaphore_mem>>)
      %dma_wait3A_81 = arith.constant 0 : i32
      %dma_wait3A_82 = tpu.memref_slice %arg4[%add3A_6, %dma_wait3A_81] : memref<2560x128xi32, #tpu.memory_space<hbm>> -> memref<40x128xi32, #tpu.memory_space<hbm>>
      %dma_wait3A_83 = arith.constant 0 : i32
      %dma_wait3A_84 = tpu.memref_slice %arg4[%add3A_6, %dma_wait3A_83] : memref<2560x128xi32, #tpu.memory_space<hbm>> -> memref<40x128xi32, #tpu.memory_space<hbm>>
      tpu.wait_dma2 semaphore(%run_scoped3A_76 : memref<!tpu.dma_semaphore, #tpu.memory_space<semaphore_mem>>) src(%dma_wait3A_84 : memref<40x128xi32, #tpu.memory_space<hbm>>) dst(%arg8 : memref<40x128xi32, #tpu.memory_space<vmem>>)
      tpu.yield
    }) : () -> ()
    %dma_start3A = arith.constant 0 : i32
    %dma_start3A_7 = arith.constant 0 : i32
    %dma_start3A_8 = tpu.memref_slice %arg7[%dma_start3A, %dma_start3A_7] : memref<40x128xi32, #tpu.memory_space<vmem>> -> memref<1x128xi32, #tpu.memory_space<vmem>>
    %dma_start3A_9 = tpu.memref_squeeze %dma_start3A_8 : memref<1x128xi32, #tpu.memory_space<vmem>> -> memref<128xi32, #tpu.memory_space<vmem>>
    %dma_start3A_10 = arith.constant 0 : i32
    %dma_start3A_11 = arith.constant 0 : i32
    %dma_start3A_12 = tpu.memref_slice %arg2[%dma_start3A_10, %dma_start3A_11] : memref<10000x128xf32, #tpu.memory_space<hbm>> -> memref<10000x128xf32, #tpu.memory_space<hbm>>
    tpu.enqueue_indirect_dma source(%dma_start3A_12 : memref<10000x128xf32, #tpu.memory_space<hbm>>) target(%arg9 : memref<128x128xf32, #tpu.memory_space<vmem>>) offsets(%dma_start3A_9 : memref<128xi32, #tpu.memory_space<vmem>>) semaphore(%arg11 : memref<!tpu.dma_semaphore, #tpu.memory_space<semaphore_mem>>)
    %dma_start3A_13 = arith.constant 1 : i32
    %dma_start3A_14 = arith.constant 0 : i32
    %dma_start3A_15 = tpu.memref_slice %arg7[%dma_start3A_13, %dma_start3A_14] : memref<40x128xi32, #tpu.memory_space<vmem>> -> memref<1x128xi32, #tpu.memory_space<vmem>>
    %dma_start3A_16 = tpu.memref_squeeze %dma_start3A_15 : memref<1x128xi32, #tpu.memory_space<vmem>> -> memref<128xi32, #tpu.memory_space<vmem>>
    %dma_start3A_17 = arith.constant 0 : i32
    %dma_start3A_18 = arith.constant 0 : i32
    %dma_start3A_19 = tpu.memref_slice %arg2[%dma_start3A_17, %dma_start3A_18] : memref<10000x128xf32, #tpu.memory_space<hbm>> -> memref<10000x128xf32, #tpu.memory_space<hbm>>
    tpu.enqueue_indirect_dma source(%dma_start3A_19 : memref<10000x128xf32, #tpu.memory_space<hbm>>) target(%arg10 : memref<128x128xf32, #tpu.memory_space<vmem>>) offsets(%dma_start3A_16 : memref<128xi32, #tpu.memory_space<vmem>>) semaphore(%arg12 : memref<!tpu.dma_semaphore, #tpu.memory_space<semaphore_mem>>)
    %scan3A = arith.constant 0 : i32
    %scan3A_20 = arith.constant 19 : i32
    %scan3A_21 = arith.addi %scan3A, %scan3A_20 : i32
    %scan3A_22 = arith.constant 1 : i32
    scf.for %scan3A_76 = %scan3A to %scan3A_21 step %scan3A_22  : i32 {
      %mul3A_77 = arith.constant 2 : i32
      %mul3A_78 = arith.muli %scan3A_76, %mul3A_77 : i32
      %add3A_79 = arith.constant 0 : i32
      %add3A_80 = arith.addi %add3A_79, %mul3A_78 : i32
      %add3A_81 = arith.constant 0 : i32
      %add3A_82 = arith.addi %add3A_80, %add3A_81 : i32
      %dma_wait3A_83 = arith.constant 0 : i32
      %dma_wait3A_84 = tpu.memref_slice %arg7[%add3A_82, %dma_wait3A_83] : memref<40x128xi32, #tpu.memory_space<vmem>> -> memref<1x128xi32, #tpu.memory_space<vmem>>
      %dma_wait3A_85 = tpu.memref_squeeze %dma_wait3A_84 : memref<1x128xi32, #tpu.memory_space<vmem>> -> memref<128xi32, #tpu.memory_space<vmem>>
      %dma_wait3A_86 = arith.constant 0 : i32
      %dma_wait3A_87 = arith.constant 0 : i32
      %dma_wait3A_88 = tpu.memref_slice %arg2[%dma_wait3A_86, %dma_wait3A_87] : memref<10000x128xf32, #tpu.memory_space<hbm>> -> memref<10000x128xf32, #tpu.memory_space<hbm>>
      tpu.wait_indirect_dma semaphore(%arg11 : memref<!tpu.dma_semaphore, #tpu.memory_space<semaphore_mem>>) src(%dma_wait3A_88 : memref<10000x128xf32, #tpu.memory_space<hbm>>) dst(%arg9 : memref<128x128xf32, #tpu.memory_space<vmem>>)
      "tpu.region"() ({
        %run_scoped3A_113 = tpu.sem_alloc : memref<!tpu.dma_semaphore, #tpu.memory_space<semaphore_mem>>
        %dma_start3A_114 = arith.constant 0 : i32
        %dma_start3A_115 = tpu.memref_slice %arg8[%add3A_82, %dma_start3A_114] : memref<40x128xi32, #tpu.memory_space<vmem>> -> memref<1x128xi32, #tpu.memory_space<vmem>>
        %dma_start3A_116 = tpu.memref_squeeze %dma_start3A_115 : memref<1x128xi32, #tpu.memory_space<vmem>> -> memref<128xi32, #tpu.memory_space<vmem>>
        %dma_start3A_117 = arith.constant 0 : i32
        %dma_start3A_118 = arith.constant 0 : i32
        %dma_start3A_119 = tpu.memref_slice %arg13[%dma_start3A_117, %dma_start3A_118] : memref<10112x128xf32, #tpu.memory_space<vmem_shared>> -> memref<10112x128xf32, #tpu.memory_space<vmem_shared>>
        tpu.enqueue_indirect_dma source(%arg9 : memref<128x128xf32, #tpu.memory_space<vmem>>) target(%dma_start3A_119 : memref<10112x128xf32, #tpu.memory_space<vmem_shared>>) offsets(%dma_start3A_116 : memref<128xi32, #tpu.memory_space<vmem>>) semaphore(%run_scoped3A_113 : memref<!tpu.dma_semaphore, #tpu.memory_space<semaphore_mem>>) {add = true}
        %dma_wait3A_120 = arith.constant 0 : i32
        %dma_wait3A_121 = tpu.memref_slice %arg8[%add3A_82, %dma_wait3A_120] : memref<40x128xi32, #tpu.memory_space<vmem>> -> memref<1x128xi32, #tpu.memory_space<vmem>>
        %dma_wait3A_122 = tpu.memref_squeeze %dma_wait3A_121 : memref<1x128xi32, #tpu.memory_space<vmem>> -> memref<128xi32, #tpu.memory_space<vmem>>
        %dma_wait3A_123 = arith.constant 0 : i32
        %dma_wait3A_124 = arith.constant 0 : i32
        %dma_wait3A_125 = tpu.memref_slice %arg13[%dma_wait3A_123, %dma_wait3A_124] : memref<10112x128xf32, #tpu.memory_space<vmem_shared>> -> memref<10112x128xf32, #tpu.memory_space<vmem_shared>>
        tpu.wait_indirect_dma semaphore(%run_scoped3A_113 : memref<!tpu.dma_semaphore, #tpu.memory_space<semaphore_mem>>) src(%arg9 : memref<128x128xf32, #tpu.memory_space<vmem>>) dst(%dma_wait3A_125 : memref<10112x128xf32, #tpu.memory_space<vmem_shared>>)
        tpu.yield
      }) : () -> ()
      %add3A_89 = arith.constant 2 : i32
      %add3A_90 = arith.addi %add3A_82, %add3A_89 : i32
      %dma_start3A_91 = arith.constant 0 : i32
      %dma_start3A_92 = tpu.memref_slice %arg7[%add3A_90, %dma_start3A_91] : memref<40x128xi32, #tpu.memory_space<vmem>> -> memref<1x128xi32, #tpu.memory_space<vmem>>
      %dma_start3A_93 = tpu.memref_squeeze %dma_start3A_92 : memref<1x128xi32, #tpu.memory_space<vmem>> -> memref<128xi32, #tpu.memory_space<vmem>>
      %dma_start3A_94 = arith.constant 0 : i32
      %dma_start3A_95 = arith.constant 0 : i32
      %dma_start3A_96 = tpu.memref_slice %arg2[%dma_start3A_94, %dma_start3A_95] : memref<10000x128xf32, #tpu.memory_space<hbm>> -> memref<10000x128xf32, #tpu.memory_space<hbm>>
      tpu.enqueue_indirect_dma source(%dma_start3A_96 : memref<10000x128xf32, #tpu.memory_space<hbm>>) target(%arg9 : memref<128x128xf32, #tpu.memory_space<vmem>>) offsets(%dma_start3A_93 : memref<128xi32, #tpu.memory_space<vmem>>) semaphore(%arg11 : memref<!tpu.dma_semaphore, #tpu.memory_space<semaphore_mem>>)
      %add3A_97 = arith.constant 1 : i32
      %add3A_98 = arith.addi %add3A_80, %add3A_97 : i32
      %dma_wait3A_99 = arith.constant 0 : i32
      %dma_wait3A_100 = tpu.memref_slice %arg7[%add3A_98, %dma_wait3A_99] : memref<40x128xi32, #tpu.memory_space<vmem>> -> memref<1x128xi32, #tpu.memory_space<vmem>>
      %dma_wait3A_101 = tpu.memref_squeeze %dma_wait3A_100 : memref<1x128xi32, #tpu.memory_space<vmem>> -> memref<128xi32, #tpu.memory_space<vmem>>
      %dma_wait3A_102 = arith.constant 0 : i32
      %dma_wait3A_103 = arith.constant 0 : i32
      %dma_wait3A_104 = tpu.memref_slice %arg2[%dma_wait3A_102, %dma_wait3A_103] : memref<10000x128xf32, #tpu.memory_space<hbm>> -> memref<10000x128xf32, #tpu.memory_space<hbm>>
      tpu.wait_indirect_dma semaphore(%arg12 : memref<!tpu.dma_semaphore, #tpu.memory_space<semaphore_mem>>) src(%dma_wait3A_104 : memref<10000x128xf32, #tpu.memory_space<hbm>>) dst(%arg10 : memref<128x128xf32, #tpu.memory_space<vmem>>)
      "tpu.region"() ({
        %run_scoped3A_113 = tpu.sem_alloc : memref<!tpu.dma_semaphore, #tpu.memory_space<semaphore_mem>>
        %dma_start3A_114 = arith.constant 0 : i32
        %dma_start3A_115 = tpu.memref_slice %arg8[%add3A_98, %dma_start3A_114] : memref<40x128xi32, #tpu.memory_space<vmem>> -> memref<1x128xi32, #tpu.memory_space<vmem>>
        %dma_start3A_116 = tpu.memref_squeeze %dma_start3A_115 : memref<1x128xi32, #tpu.memory_space<vmem>> -> memref<128xi32, #tpu.memory_space<vmem>>
        %dma_start3A_117 = arith.constant 0 : i32
        %dma_start3A_118 = arith.constant 0 : i32
        %dma_start3A_119 = tpu.memref_slice %arg13[%dma_start3A_117, %dma_start3A_118] : memref<10112x128xf32, #tpu.memory_space<vmem_shared>> -> memref<10112x128xf32, #tpu.memory_space<vmem_shared>>
        tpu.enqueue_indirect_dma source(%arg10 : memref<128x128xf32, #tpu.memory_space<vmem>>) target(%dma_start3A_119 : memref<10112x128xf32, #tpu.memory_space<vmem_shared>>) offsets(%dma_start3A_116 : memref<128xi32, #tpu.memory_space<vmem>>) semaphore(%run_scoped3A_113 : memref<!tpu.dma_semaphore, #tpu.memory_space<semaphore_mem>>) {add = true}
        %dma_wait3A_120 = arith.constant 0 : i32
        %dma_wait3A_121 = tpu.memref_slice %arg8[%add3A_98, %dma_wait3A_120] : memref<40x128xi32, #tpu.memory_space<vmem>> -> memref<1x128xi32, #tpu.memory_space<vmem>>
        %dma_wait3A_122 = tpu.memref_squeeze %dma_wait3A_121 : memref<1x128xi32, #tpu.memory_space<vmem>> -> memref<128xi32, #tpu.memory_space<vmem>>
        %dma_wait3A_123 = arith.constant 0 : i32
        %dma_wait3A_124 = arith.constant 0 : i32
        %dma_wait3A_125 = tpu.memref_slice %arg13[%dma_wait3A_123, %dma_wait3A_124] : memref<10112x128xf32, #tpu.memory_space<vmem_shared>> -> memref<10112x128xf32, #tpu.memory_space<vmem_shared>>
        tpu.wait_indirect_dma semaphore(%run_scoped3A_113 : memref<!tpu.dma_semaphore, #tpu.memory_space<semaphore_mem>>) src(%arg10 : memref<128x128xf32, #tpu.memory_space<vmem>>) dst(%dma_wait3A_125 : memref<10112x128xf32, #tpu.memory_space<vmem_shared>>)
        tpu.yield
      }) : () -> ()
      %add3A_105 = arith.constant 2 : i32
      %add3A_106 = arith.addi %add3A_98, %add3A_105 : i32
      %dma_start3A_107 = arith.constant 0 : i32
      %dma_start3A_108 = tpu.memref_slice %arg7[%add3A_106, %dma_start3A_107] : memref<40x128xi32, #tpu.memory_space<vmem>> -> memref<1x128xi32, #tpu.memory_space<vmem>>
      %dma_start3A_109 = tpu.memref_squeeze %dma_start3A_108 : memref<1x128xi32, #tpu.memory_space<vmem>> -> memref<128xi32, #tpu.memory_space<vmem>>
      %dma_start3A_110 = arith.constant 0 : i32
      %dma_start3A_111 = arith.constant 0 : i32
      %dma_start3A_112 = tpu.memref_slice %arg2[%dma_start3A_110, %dma_start3A_111] : memref<10000x128xf32, #tpu.memory_space<hbm>> -> memref<10000x128xf32, #tpu.memory_space<hbm>>
      tpu.enqueue_indirect_dma source(%dma_start3A_112 : memref<10000x128xf32, #tpu.memory_space<hbm>>) target(%arg10 : memref<128x128xf32, #tpu.memory_space<vmem>>) offsets(%dma_start3A_109 : memref<128xi32, #tpu.memory_space<vmem>>) semaphore(%arg12 : memref<!tpu.dma_semaphore, #tpu.memory_space<semaphore_mem>>)
    }
    %scan3A_23 = arith.constant 19 : i32
    %dma_wait3A = arith.constant 38 : i32
    %dma_wait3A_24 = arith.constant 0 : i32
    %dma_wait3A_25 = tpu.memref_slice %arg7[%dma_wait3A, %dma_wait3A_24] : memref<40x128xi32, #tpu.memory_space<vmem>> -> memref<1x128xi32, #tpu.memory_space<vmem>>
    %dma_wait3A_26 = tpu.memref_squeeze %dma_wait3A_25 : memref<1x128xi32, #tpu.memory_space<vmem>> -> memref<128xi32, #tpu.memory_space<vmem>>
    %dma_wait3A_27 = arith.constant 0 : i32
    %dma_wait3A_28 = arith.constant 0 : i32
    %dma_wait3A_29 = tpu.memref_slice %arg2[%dma_wait3A_27, %dma_wait3A_28] : memref<10000x128xf32, #tpu.memory_space<hbm>> -> memref<10000x128xf32, #tpu.memory_space<hbm>>
    tpu.wait_indirect_dma semaphore(%arg11 : memref<!tpu.dma_semaphore, #tpu.memory_space<semaphore_mem>>) src(%dma_wait3A_29 : memref<10000x128xf32, #tpu.memory_space<hbm>>) dst(%arg9 : memref<128x128xf32, #tpu.memory_space<vmem>>)
    %run_scoped3A = arith.constant 38 : i32
    "tpu.region"() ({
      %run_scoped3A_76 = tpu.sem_alloc : memref<!tpu.dma_semaphore, #tpu.memory_space<semaphore_mem>>
      %dma_start3A_77 = arith.constant 0 : i32
      %dma_start3A_78 = tpu.memref_slice %arg8[%run_scoped3A, %dma_start3A_77] : memref<40x128xi32, #tpu.memory_space<vmem>> -> memref<1x128xi32, #tpu.memory_space<vmem>>
      %dma_start3A_79 = tpu.memref_squeeze %dma_start3A_78 : memref<1x128xi32, #tpu.memory_space<vmem>> -> memref<128xi32, #tpu.memory_space<vmem>>
      %dma_start3A_80 = arith.constant 0 : i32
      %dma_start3A_81 = arith.constant 0 : i32
      %dma_start3A_82 = tpu.memref_slice %arg13[%dma_start3A_80, %dma_start3A_81] : memref<10112x128xf32, #tpu.memory_space<vmem_shared>> -> memref<10112x128xf32, #tpu.memory_space<vmem_shared>>
      tpu.enqueue_indirect_dma source(%arg9 : memref<128x128xf32, #tpu.memory_space<vmem>>) target(%dma_start3A_82 : memref<10112x128xf32, #tpu.memory_space<vmem_shared>>) offsets(%dma_start3A_79 : memref<128xi32, #tpu.memory_space<vmem>>) semaphore(%run_scoped3A_76 : memref<!tpu.dma_semaphore, #tpu.memory_space<semaphore_mem>>) {add = true}
      %dma_wait3A_83 = arith.constant 0 : i32
      %dma_wait3A_84 = tpu.memref_slice %arg8[%run_scoped3A, %dma_wait3A_83] : memref<40x128xi32, #tpu.memory_space<vmem>> -> memref<1x128xi32, #tpu.memory_space<vmem>>
      %dma_wait3A_85 = tpu.memref_squeeze %dma_wait3A_84 : memref<1x128xi32, #tpu.memory_space<vmem>> -> memref<128xi32, #tpu.memory_space<vmem>>
      %dma_wait3A_86 = arith.constant 0 : i32
      %dma_wait3A_87 = arith.constant 0 : i32
      %dma_wait3A_88 = tpu.memref_slice %arg13[%dma_wait3A_86, %dma_wait3A_87] : memref<10112x128xf32, #tpu.memory_space<vmem_shared>> -> memref<10112x128xf32, #tpu.memory_space<vmem_shared>>
      tpu.wait_indirect_dma semaphore(%run_scoped3A_76 : memref<!tpu.dma_semaphore, #tpu.memory_space<semaphore_mem>>) src(%arg9 : memref<128x128xf32, #tpu.memory_space<vmem>>) dst(%dma_wait3A_88 : memref<10112x128xf32, #tpu.memory_space<vmem_shared>>)
      tpu.yield
    }) : () -> ()
    %dma_wait3A_30 = arith.constant 39 : i32
    %dma_wait3A_31 = arith.constant 0 : i32
    %dma_wait3A_32 = tpu.memref_slice %arg7[%dma_wait3A_30, %dma_wait3A_31] : memref<40x128xi32, #tpu.memory_space<vmem>> -> memref<1x128xi32, #tpu.memory_space<vmem>>
    %dma_wait3A_33 = tpu.memref_squeeze %dma_wait3A_32 : memref<1x128xi32, #tpu.memory_space<vmem>> -> memref<128xi32, #tpu.memory_space<vmem>>
    %dma_wait3A_34 = arith.constant 0 : i32
    %dma_wait3A_35 = arith.constant 0 : i32
    %dma_wait3A_36 = tpu.memref_slice %arg2[%dma_wait3A_34, %dma_wait3A_35] : memref<10000x128xf32, #tpu.memory_space<hbm>> -> memref<10000x128xf32, #tpu.memory_space<hbm>>
    tpu.wait_indirect_dma semaphore(%arg12 : memref<!tpu.dma_semaphore, #tpu.memory_space<semaphore_mem>>) src(%dma_wait3A_36 : memref<10000x128xf32, #tpu.memory_space<hbm>>) dst(%arg10 : memref<128x128xf32, #tpu.memory_space<vmem>>)
    %run_scoped3A_37 = arith.constant 39 : i32
    "tpu.region"() ({
      %run_scoped3A_76 = tpu.sem_alloc : memref<!tpu.dma_semaphore, #tpu.memory_space<semaphore_mem>>
      %dma_start3A_77 = arith.constant 0 : i32
      %dma_start3A_78 = tpu.memref_slice %arg8[%run_scoped3A_37, %dma_start3A_77] : memref<40x128xi32, #tpu.memory_space<vmem>> -> memref<1x128xi32, #tpu.memory_space<vmem>>
      %dma_start3A_79 = tpu.memref_squeeze %dma_start3A_78 : memref<1x128xi32, #tpu.memory_space<vmem>> -> memref<128xi32, #tpu.memory_space<vmem>>
      %dma_start3A_80 = arith.constant 0 : i32
      %dma_start3A_81 = arith.constant 0 : i32
      %dma_start3A_82 = tpu.memref_slice %arg13[%dma_start3A_80, %dma_start3A_81] : memref<10112x128xf32, #tpu.memory_space<vmem_shared>> -> memref<10112x128xf32, #tpu.memory_space<vmem_shared>>
      tpu.enqueue_indirect_dma source(%arg10 : memref<128x128xf32, #tpu.memory_space<vmem>>) target(%dma_start3A_82 : memref<10112x128xf32, #tpu.memory_space<vmem_shared>>) offsets(%dma_start3A_79 : memref<128xi32, #tpu.memory_space<vmem>>) semaphore(%run_scoped3A_76 : memref<!tpu.dma_semaphore, #tpu.memory_space<semaphore_mem>>) {add = true}
      %dma_wait3A_83 = arith.constant 0 : i32
      %dma_wait3A_84 = tpu.memref_slice %arg8[%run_scoped3A_37, %dma_wait3A_83] : memref<40x128xi32, #tpu.memory_space<vmem>> -> memref<1x128xi32, #tpu.memory_space<vmem>>
      %dma_wait3A_85 = tpu.memref_squeeze %dma_wait3A_84 : memref<1x128xi32, #tpu.memory_space<vmem>> -> memref<128xi32, #tpu.memory_space<vmem>>
      %dma_wait3A_86 = arith.constant 0 : i32
      %dma_wait3A_87 = arith.constant 0 : i32
      %dma_wait3A_88 = tpu.memref_slice %arg13[%dma_wait3A_86, %dma_wait3A_87] : memref<10112x128xf32, #tpu.memory_space<vmem_shared>> -> memref<10112x128xf32, #tpu.memory_space<vmem_shared>>
      tpu.wait_indirect_dma semaphore(%run_scoped3A_76 : memref<!tpu.dma_semaphore, #tpu.memory_space<semaphore_mem>>) src(%arg10 : memref<128x128xf32, #tpu.memory_space<vmem>>) dst(%dma_wait3A_88 : memref<10112x128xf32, #tpu.memory_space<vmem_shared>>)
      tpu.yield
    }) : () -> ()
    %add3A_38 = arith.constant 40 : i32
    %add3A_39 = arith.addi %mul3A_4, %add3A_38 : i32
    "tpu.region"() ({
      %run_scoped3A_76 = tpu.sem_alloc : memref<!tpu.dma_semaphore, #tpu.memory_space<semaphore_mem>>
      %dma_start3A_77 = arith.constant 0 : i32
      %dma_start3A_78 = tpu.memref_slice %arg3[%add3A_39, %dma_start3A_77] : memref<2560x128xi32, #tpu.memory_space<hbm>> -> memref<40x128xi32, #tpu.memory_space<hbm>>
      %dma_start3A_79 = arith.constant 0 : i32
      %dma_start3A_80 = tpu.memref_slice %arg3[%add3A_39, %dma_start3A_79] : memref<2560x128xi32, #tpu.memory_space<hbm>> -> memref<40x128xi32, #tpu.memory_space<hbm>>
      tpu.enqueue_dma source(%dma_start3A_80 : memref<40x128xi32, #tpu.memory_space<hbm>>) target(%arg7 : memref<40x128xi32, #tpu.memory_space<vmem>>) target_semaphore(%run_scoped3A_76 : memref<!tpu.dma_semaphore, #tpu.memory_space<semaphore_mem>>)
      %dma_wait3A_81 = arith.constant 0 : i32
      %dma_wait3A_82 = tpu.memref_slice %arg3[%add3A_39, %dma_wait3A_81] : memref<2560x128xi32, #tpu.memory_space<hbm>> -> memref<40x128xi32, #tpu.memory_space<hbm>>
      %dma_wait3A_83 = arith.constant 0 : i32
      %dma_wait3A_84 = tpu.memref_slice %arg3[%add3A_39, %dma_wait3A_83] : memref<2560x128xi32, #tpu.memory_space<hbm>> -> memref<40x128xi32, #tpu.memory_space<hbm>>
      tpu.wait_dma2 semaphore(%run_scoped3A_76 : memref<!tpu.dma_semaphore, #tpu.memory_space<semaphore_mem>>) src(%dma_wait3A_84 : memref<40x128xi32, #tpu.memory_space<hbm>>) dst(%arg7 : memref<40x128xi32, #tpu.memory_space<vmem>>)
      tpu.yield
    }) : () -> ()
    "tpu.region"() ({
      %run_scoped3A_76 = tpu.sem_alloc : memref<!tpu.dma_semaphore, #tpu.memory_space<semaphore_mem>>
      %dma_start3A_77 = arith.constant 0 : i32
      %dma_start3A_78 = tpu.memref_slice %arg4[%add3A_39, %dma_start3A_77] : memref<2560x128xi32, #tpu.memory_space<hbm>> -> memref<40x128xi32, #tpu.memory_space<hbm>>
      %dma_start3A_79 = arith.constant 0 : i32
      %dma_start3A_80 = tpu.memref_slice %arg4[%add3A_39, %dma_start3A_79] : memref<2560x128xi32, #tpu.memory_space<hbm>> -> memref<40x128xi32, #tpu.memory_space<hbm>>
      tpu.enqueue_dma source(%dma_start3A_80 : memref<40x128xi32, #tpu.memory_space<hbm>>) target(%arg8 : memref<40x128xi32, #tpu.memory_space<vmem>>) target_semaphore(%run_scoped3A_76 : memref<!tpu.dma_semaphore, #tpu.memory_space<semaphore_mem>>)
      %dma_wait3A_81 = arith.constant 0 : i32
      %dma_wait3A_82 = tpu.memref_slice %arg4[%add3A_39, %dma_wait3A_81] : memref<2560x128xi32, #tpu.memory_space<hbm>> -> memref<40x128xi32, #tpu.memory_space<hbm>>
      %dma_wait3A_83 = arith.constant 0 : i32
      %dma_wait3A_84 = tpu.memref_slice %arg4[%add3A_39, %dma_wait3A_83] : memref<2560x128xi32, #tpu.memory_space<hbm>> -> memref<40x128xi32, #tpu.memory_space<hbm>>
      tpu.wait_dma2 semaphore(%run_scoped3A_76 : memref<!tpu.dma_semaphore, #tpu.memory_space<semaphore_mem>>) src(%dma_wait3A_84 : memref<40x128xi32, #tpu.memory_space<hbm>>) dst(%arg8 : memref<40x128xi32, #tpu.memory_space<vmem>>)
      tpu.yield
    }) : () -> ()
    %dma_start3A_40 = arith.constant 0 : i32
    %dma_start3A_41 = arith.constant 0 : i32
    %dma_start3A_42 = tpu.memref_slice %arg7[%dma_start3A_40, %dma_start3A_41] : memref<40x128xi32, #tpu.memory_space<vmem>> -> memref<1x128xi32, #tpu.memory_space<vmem>>
    %dma_start3A_43 = tpu.memref_squeeze %dma_start3A_42 : memref<1x128xi32, #tpu.memory_space<vmem>> -> memref<128xi32, #tpu.memory_space<vmem>>
    %dma_start3A_44 = arith.constant 0 : i32
    %dma_start3A_45 = arith.constant 0 : i32
    %dma_start3A_46 = tpu.memref_slice %arg2[%dma_start3A_44, %dma_start3A_45] : memref<10000x128xf32, #tpu.memory_space<hbm>> -> memref<10000x128xf32, #tpu.memory_space<hbm>>
    tpu.enqueue_indirect_dma source(%dma_start3A_46 : memref<10000x128xf32, #tpu.memory_space<hbm>>) target(%arg9 : memref<128x128xf32, #tpu.memory_space<vmem>>) offsets(%dma_start3A_43 : memref<128xi32, #tpu.memory_space<vmem>>) semaphore(%arg11 : memref<!tpu.dma_semaphore, #tpu.memory_space<semaphore_mem>>)
    %dma_start3A_47 = arith.constant 1 : i32
    %dma_start3A_48 = arith.constant 0 : i32
    %dma_start3A_49 = tpu.memref_slice %arg7[%dma_start3A_47, %dma_start3A_48] : memref<40x128xi32, #tpu.memory_space<vmem>> -> memref<1x128xi32, #tpu.memory_space<vmem>>
    %dma_start3A_50 = tpu.memref_squeeze %dma_start3A_49 : memref<1x128xi32, #tpu.memory_space<vmem>> -> memref<128xi32, #tpu.memory_space<vmem>>
    %dma_start3A_51 = arith.constant 0 : i32
    %dma_start3A_52 = arith.constant 0 : i32
    %dma_start3A_53 = tpu.memref_slice %arg2[%dma_start3A_51, %dma_start3A_52] : memref<10000x128xf32, #tpu.memory_space<hbm>> -> memref<10000x128xf32, #tpu.memory_space<hbm>>
    tpu.enqueue_indirect_dma source(%dma_start3A_53 : memref<10000x128xf32, #tpu.memory_space<hbm>>) target(%arg10 : memref<128x128xf32, #tpu.memory_space<vmem>>) offsets(%dma_start3A_50 : memref<128xi32, #tpu.memory_space<vmem>>) semaphore(%arg12 : memref<!tpu.dma_semaphore, #tpu.memory_space<semaphore_mem>>)
    %scan3A_54 = arith.constant 0 : i32
    %scan3A_55 = arith.constant 19 : i32
    %scan3A_56 = arith.addi %scan3A_54, %scan3A_55 : i32
    %scan3A_57 = arith.constant 1 : i32
    scf.for %scan3A_76 = %scan3A_54 to %scan3A_56 step %scan3A_57  : i32 {
      %mul3A_77 = arith.constant 2 : i32
      %mul3A_78 = arith.muli %scan3A_76, %mul3A_77 : i32
      %add3A_79 = arith.constant 0 : i32
      %add3A_80 = arith.addi %add3A_79, %mul3A_78 : i32
      %add3A_81 = arith.constant 0 : i32
      %add3A_82 = arith.addi %add3A_80, %add3A_81 : i32
      %dma_wait3A_83 = arith.constant 0 : i32
      %dma_wait3A_84 = tpu.memref_slice %arg7[%add3A_82, %dma_wait3A_83] : memref<40x128xi32, #tpu.memory_space<vmem>> -> memref<1x128xi32, #tpu.memory_space<vmem>>
      %dma_wait3A_85 = tpu.memref_squeeze %dma_wait3A_84 : memref<1x128xi32, #tpu.memory_space<vmem>> -> memref<128xi32, #tpu.memory_space<vmem>>
      %dma_wait3A_86 = arith.constant 0 : i32
      %dma_wait3A_87 = arith.constant 0 : i32
      %dma_wait3A_88 = tpu.memref_slice %arg2[%dma_wait3A_86, %dma_wait3A_87] : memref<10000x128xf32, #tpu.memory_space<hbm>> -> memref<10000x128xf32, #tpu.memory_space<hbm>>
      tpu.wait_indirect_dma semaphore(%arg11 : memref<!tpu.dma_semaphore, #tpu.memory_space<semaphore_mem>>) src(%dma_wait3A_88 : memref<10000x128xf32, #tpu.memory_space<hbm>>) dst(%arg9 : memref<128x128xf32, #tpu.memory_space<vmem>>)
      "tpu.region"() ({
        %run_scoped3A_113 = tpu.sem_alloc : memref<!tpu.dma_semaphore, #tpu.memory_space<semaphore_mem>>
        %dma_start3A_114 = arith.constant 0 : i32
        %dma_start3A_115 = tpu.memref_slice %arg8[%add3A_82, %dma_start3A_114] : memref<40x128xi32, #tpu.memory_space<vmem>> -> memref<1x128xi32, #tpu.memory_space<vmem>>
        %dma_start3A_116 = tpu.memref_squeeze %dma_start3A_115 : memref<1x128xi32, #tpu.memory_space<vmem>> -> memref<128xi32, #tpu.memory_space<vmem>>
        %dma_start3A_117 = arith.constant 0 : i32
        %dma_start3A_118 = arith.constant 0 : i32
        %dma_start3A_119 = tpu.memref_slice %arg13[%dma_start3A_117, %dma_start3A_118] : memref<10112x128xf32, #tpu.memory_space<vmem_shared>> -> memref<10112x128xf32, #tpu.memory_space<vmem_shared>>
        tpu.enqueue_indirect_dma source(%arg9 : memref<128x128xf32, #tpu.memory_space<vmem>>) target(%dma_start3A_119 : memref<10112x128xf32, #tpu.memory_space<vmem_shared>>) offsets(%dma_start3A_116 : memref<128xi32, #tpu.memory_space<vmem>>) semaphore(%run_scoped3A_113 : memref<!tpu.dma_semaphore, #tpu.memory_space<semaphore_mem>>) {add = true}
        %dma_wait3A_120 = arith.constant 0 : i32
        %dma_wait3A_121 = tpu.memref_slice %arg8[%add3A_82, %dma_wait3A_120] : memref<40x128xi32, #tpu.memory_space<vmem>> -> memref<1x128xi32, #tpu.memory_space<vmem>>
        %dma_wait3A_122 = tpu.memref_squeeze %dma_wait3A_121 : memref<1x128xi32, #tpu.memory_space<vmem>> -> memref<128xi32, #tpu.memory_space<vmem>>
        %dma_wait3A_123 = arith.constant 0 : i32
        %dma_wait3A_124 = arith.constant 0 : i32
        %dma_wait3A_125 = tpu.memref_slice %arg13[%dma_wait3A_123, %dma_wait3A_124] : memref<10112x128xf32, #tpu.memory_space<vmem_shared>> -> memref<10112x128xf32, #tpu.memory_space<vmem_shared>>
        tpu.wait_indirect_dma semaphore(%run_scoped3A_113 : memref<!tpu.dma_semaphore, #tpu.memory_space<semaphore_mem>>) src(%arg9 : memref<128x128xf32, #tpu.memory_space<vmem>>) dst(%dma_wait3A_125 : memref<10112x128xf32, #tpu.memory_space<vmem_shared>>)
        tpu.yield
      }) : () -> ()
      %add3A_89 = arith.constant 2 : i32
      %add3A_90 = arith.addi %add3A_82, %add3A_89 : i32
      %dma_start3A_91 = arith.constant 0 : i32
      %dma_start3A_92 = tpu.memref_slice %arg7[%add3A_90, %dma_start3A_91] : memref<40x128xi32, #tpu.memory_space<vmem>> -> memref<1x128xi32, #tpu.memory_space<vmem>>
      %dma_start3A_93 = tpu.memref_squeeze %dma_start3A_92 : memref<1x128xi32, #tpu.memory_space<vmem>> -> memref<128xi32, #tpu.memory_space<vmem>>
      %dma_start3A_94 = arith.constant 0 : i32
      %dma_start3A_95 = arith.constant 0 : i32
      %dma_start3A_96 = tpu.memref_slice %arg2[%dma_start3A_94, %dma_start3A_95] : memref<10000x128xf32, #tpu.memory_space<hbm>> -> memref<10000x128xf32, #tpu.memory_space<hbm>>
      tpu.enqueue_indirect_dma source(%dma_start3A_96 : memref<10000x128xf32, #tpu.memory_space<hbm>>) target(%arg9 : memref<128x128xf32, #tpu.memory_space<vmem>>) offsets(%dma_start3A_93 : memref<128xi32, #tpu.memory_space<vmem>>) semaphore(%arg11 : memref<!tpu.dma_semaphore, #tpu.memory_space<semaphore_mem>>)
      %add3A_97 = arith.constant 1 : i32
      %add3A_98 = arith.addi %add3A_80, %add3A_97 : i32
      %dma_wait3A_99 = arith.constant 0 : i32
      %dma_wait3A_100 = tpu.memref_slice %arg7[%add3A_98, %dma_wait3A_99] : memref<40x128xi32, #tpu.memory_space<vmem>> -> memref<1x128xi32, #tpu.memory_space<vmem>>
      %dma_wait3A_101 = tpu.memref_squeeze %dma_wait3A_100 : memref<1x128xi32, #tpu.memory_space<vmem>> -> memref<128xi32, #tpu.memory_space<vmem>>
      %dma_wait3A_102 = arith.constant 0 : i32
      %dma_wait3A_103 = arith.constant 0 : i32
      %dma_wait3A_104 = tpu.memref_slice %arg2[%dma_wait3A_102, %dma_wait3A_103] : memref<10000x128xf32, #tpu.memory_space<hbm>> -> memref<10000x128xf32, #tpu.memory_space<hbm>>
      tpu.wait_indirect_dma semaphore(%arg12 : memref<!tpu.dma_semaphore, #tpu.memory_space<semaphore_mem>>) src(%dma_wait3A_104 : memref<10000x128xf32, #tpu.memory_space<hbm>>) dst(%arg10 : memref<128x128xf32, #tpu.memory_space<vmem>>)
      "tpu.region"() ({
        %run_scoped3A_113 = tpu.sem_alloc : memref<!tpu.dma_semaphore, #tpu.memory_space<semaphore_mem>>
        %dma_start3A_114 = arith.constant 0 : i32
        %dma_start3A_115 = tpu.memref_slice %arg8[%add3A_98, %dma_start3A_114] : memref<40x128xi32, #tpu.memory_space<vmem>> -> memref<1x128xi32, #tpu.memory_space<vmem>>
        %dma_start3A_116 = tpu.memref_squeeze %dma_start3A_115 : memref<1x128xi32, #tpu.memory_space<vmem>> -> memref<128xi32, #tpu.memory_space<vmem>>
        %dma_start3A_117 = arith.constant 0 : i32
        %dma_start3A_118 = arith.constant 0 : i32
        %dma_start3A_119 = tpu.memref_slice %arg13[%dma_start3A_117, %dma_start3A_118] : memref<10112x128xf32, #tpu.memory_space<vmem_shared>> -> memref<10112x128xf32, #tpu.memory_space<vmem_shared>>
        tpu.enqueue_indirect_dma source(%arg10 : memref<128x128xf32, #tpu.memory_space<vmem>>) target(%dma_start3A_119 : memref<10112x128xf32, #tpu.memory_space<vmem_shared>>) offsets(%dma_start3A_116 : memref<128xi32, #tpu.memory_space<vmem>>) semaphore(%run_scoped3A_113 : memref<!tpu.dma_semaphore, #tpu.memory_space<semaphore_mem>>) {add = true}
        %dma_wait3A_120 = arith.constant 0 : i32
        %dma_wait3A_121 = tpu.memref_slice %arg8[%add3A_98, %dma_wait3A_120] : memref<40x128xi32, #tpu.memory_space<vmem>> -> memref<1x128xi32, #tpu.memory_space<vmem>>
        %dma_wait3A_122 = tpu.memref_squeeze %dma_wait3A_121 : memref<1x128xi32, #tpu.memory_space<vmem>> -> memref<128xi32, #tpu.memory_space<vmem>>
        %dma_wait3A_123 = arith.constant 0 : i32
        %dma_wait3A_124 = arith.constant 0 : i32
        %dma_wait3A_125 = tpu.memref_slice %arg13[%dma_wait3A_123, %dma_wait3A_124] : memref<10112x128xf32, #tpu.memory_space<vmem_shared>> -> memref<10112x128xf32, #tpu.memory_space<vmem_shared>>
        tpu.wait_indirect_dma semaphore(%run_scoped3A_113 : memref<!tpu.dma_semaphore, #tpu.memory_space<semaphore_mem>>) src(%arg10 : memref<128x128xf32, #tpu.memory_space<vmem>>) dst(%dma_wait3A_125 : memref<10112x128xf32, #tpu.memory_space<vmem_shared>>)
        tpu.yield
      }) : () -> ()
      %add3A_105 = arith.constant 2 : i32
      %add3A_106 = arith.addi %add3A_98, %add3A_105 : i32
      %dma_start3A_107 = arith.constant 0 : i32
      %dma_start3A_108 = tpu.memref_slice %arg7[%add3A_106, %dma_start3A_107] : memref<40x128xi32, #tpu.memory_space<vmem>> -> memref<1x128xi32, #tpu.memory_space<vmem>>
      %dma_start3A_109 = tpu.memref_squeeze %dma_start3A_108 : memref<1x128xi32, #tpu.memory_space<vmem>> -> memref<128xi32, #tpu.memory_space<vmem>>
      %dma_start3A_110 = arith.constant 0 : i32
      %dma_start3A_111 = arith.constant 0 : i32
      %dma_start3A_112 = tpu.memref_slice %arg2[%dma_start3A_110, %dma_start3A_111] : memref<10000x128xf32, #tpu.memory_space<hbm>> -> memref<10000x128xf32, #tpu.memory_space<hbm>>
      tpu.enqueue_indirect_dma source(%dma_start3A_112 : memref<10000x128xf32, #tpu.memory_space<hbm>>) target(%arg10 : memref<128x128xf32, #tpu.memory_space<vmem>>) offsets(%dma_start3A_109 : memref<128xi32, #tpu.memory_space<vmem>>) semaphore(%arg12 : memref<!tpu.dma_semaphore, #tpu.memory_space<semaphore_mem>>)
    }
    %scan3A_58 = arith.constant 19 : i32
    %dma_wait3A_59 = arith.constant 38 : i32
    %dma_wait3A_60 = arith.constant 0 : i32
    %dma_wait3A_61 = tpu.memref_slice %arg7[%dma_wait3A_59, %dma_wait3A_60] : memref<40x128xi32, #tpu.memory_space<vmem>> -> memref<1x128xi32, #tpu.memory_space<vmem>>
    %dma_wait3A_62 = tpu.memref_squeeze %dma_wait3A_61 : memref<1x128xi32, #tpu.memory_space<vmem>> -> memref<128xi32, #tpu.memory_space<vmem>>
    %dma_wait3A_63 = arith.constant 0 : i32
    %dma_wait3A_64 = arith.constant 0 : i32
    %dma_wait3A_65 = tpu.memref_slice %arg2[%dma_wait3A_63, %dma_wait3A_64] : memref<10000x128xf32, #tpu.memory_space<hbm>> -> memref<10000x128xf32, #tpu.memory_space<hbm>>
    tpu.wait_indirect_dma semaphore(%arg11 : memref<!tpu.dma_semaphore, #tpu.memory_space<semaphore_mem>>) src(%dma_wait3A_65 : memref<10000x128xf32, #tpu.memory_space<hbm>>) dst(%arg9 : memref<128x128xf32, #tpu.memory_space<vmem>>)
    %run_scoped3A_66 = arith.constant 38 : i32
    "tpu.region"() ({
      %run_scoped3A_76 = tpu.sem_alloc : memref<!tpu.dma_semaphore, #tpu.memory_space<semaphore_mem>>
      %dma_start3A_77 = arith.constant 0 : i32
      %dma_start3A_78 = tpu.memref_slice %arg8[%run_scoped3A_66, %dma_start3A_77] : memref<40x128xi32, #tpu.memory_space<vmem>> -> memref<1x128xi32, #tpu.memory_space<vmem>>
      %dma_start3A_79 = tpu.memref_squeeze %dma_start3A_78 : memref<1x128xi32, #tpu.memory_space<vmem>> -> memref<128xi32, #tpu.memory_space<vmem>>
      %dma_start3A_80 = arith.constant 0 : i32
      %dma_start3A_81 = arith.constant 0 : i32
      %dma_start3A_82 = tpu.memref_slice %arg13[%dma_start3A_80, %dma_start3A_81] : memref<10112x128xf32, #tpu.memory_space<vmem_shared>> -> memref<10112x128xf32, #tpu.memory_space<vmem_shared>>
      tpu.enqueue_indirect_dma source(%arg9 : memref<128x128xf32, #tpu.memory_space<vmem>>) target(%dma_start3A_82 : memref<10112x128xf32, #tpu.memory_space<vmem_shared>>) offsets(%dma_start3A_79 : memref<128xi32, #tpu.memory_space<vmem>>) semaphore(%run_scoped3A_76 : memref<!tpu.dma_semaphore, #tpu.memory_space<semaphore_mem>>) {add = true}
      %dma_wait3A_83 = arith.constant 0 : i32
      %dma_wait3A_84 = tpu.memref_slice %arg8[%run_scoped3A_66, %dma_wait3A_83] : memref<40x128xi32, #tpu.memory_space<vmem>> -> memref<1x128xi32, #tpu.memory_space<vmem>>
      %dma_wait3A_85 = tpu.memref_squeeze %dma_wait3A_84 : memref<1x128xi32, #tpu.memory_space<vmem>> -> memref<128xi32, #tpu.memory_space<vmem>>
      %dma_wait3A_86 = arith.constant 0 : i32
      %dma_wait3A_87 = arith.constant 0 : i32
      %dma_wait3A_88 = tpu.memref_slice %arg13[%dma_wait3A_86, %dma_wait3A_87] : memref<10112x128xf32, #tpu.memory_space<vmem_shared>> -> memref<10112x128xf32, #tpu.memory_space<vmem_shared>>
      tpu.wait_indirect_dma semaphore(%run_scoped3A_76 : memref<!tpu.dma_semaphore, #tpu.memory_space<semaphore_mem>>) src(%arg9 : memref<128x128xf32, #tpu.memory_space<vmem>>) dst(%dma_wait3A_88 : memref<10112x128xf32, #tpu.memory_space<vmem_shared>>)
      tpu.yield
    }) : () -> ()
    %dma_wait3A_67 = arith.constant 39 : i32
    %dma_wait3A_68 = arith.constant 0 : i32
    %dma_wait3A_69 = tpu.memref_slice %arg7[%dma_wait3A_67, %dma_wait3A_68] : memref<40x128xi32, #tpu.memory_space<vmem>> -> memref<1x128xi32, #tpu.memory_space<vmem>>
    %dma_wait3A_70 = tpu.memref_squeeze %dma_wait3A_69 : memref<1x128xi32, #tpu.memory_space<vmem>> -> memref<128xi32, #tpu.memory_space<vmem>>
    %dma_wait3A_71 = arith.constant 0 : i32
    %dma_wait3A_72 = arith.constant 0 : i32
    %dma_wait3A_73 = tpu.memref_slice %arg2[%dma_wait3A_71, %dma_wait3A_72] : memref<10000x128xf32, #tpu.memory_space<hbm>> -> memref<10000x128xf32, #tpu.memory_space<hbm>>
    tpu.wait_indirect_dma semaphore(%arg12 : memref<!tpu.dma_semaphore, #tpu.memory_space<semaphore_mem>>) src(%dma_wait3A_73 : memref<10000x128xf32, #tpu.memory_space<hbm>>) dst(%arg10 : memref<128x128xf32, #tpu.memory_space<vmem>>)
    %run_scoped3A_74 = arith.constant 39 : i32
    "tpu.region"() ({
      %run_scoped3A_76 = tpu.sem_alloc : memref<!tpu.dma_semaphore, #tpu.memory_space<semaphore_mem>>
      %dma_start3A_77 = arith.constant 0 : i32
      %dma_start3A_78 = tpu.memref_slice %arg8[%run_scoped3A_74, %dma_start3A_77] : memref<40x128xi32, #tpu.memory_space<vmem>> -> memref<1x128xi32, #tpu.memory_space<vmem>>
      %dma_start3A_79 = tpu.memref_squeeze %dma_start3A_78 : memref<1x128xi32, #tpu.memory_space<vmem>> -> memref<128xi32, #tpu.memory_space<vmem>>
      %dma_start3A_80 = arith.constant 0 : i32
      %dma_start3A_81 = arith.constant 0 : i32
      %dma_start3A_82 = tpu.memref_slice %arg13[%dma_start3A_80, %dma_start3A_81] : memref<10112x128xf32, #tpu.memory_space<vmem_shared>> -> memref<10112x128xf32, #tpu.memory_space<vmem_shared>>
      tpu.enqueue_indirect_dma source(%arg10 : memref<128x128xf32, #tpu.memory_space<vmem>>) target(%dma_start3A_82 : memref<10112x128xf32, #tpu.memory_space<vmem_shared>>) offsets(%dma_start3A_79 : memref<128xi32, #tpu.memory_space<vmem>>) semaphore(%run_scoped3A_76 : memref<!tpu.dma_semaphore, #tpu.memory_space<semaphore_mem>>) {add = true}
      %dma_wait3A_83 = arith.constant 0 : i32
      %dma_wait3A_84 = tpu.memref_slice %arg8[%run_scoped3A_74, %dma_wait3A_83] : memref<40x128xi32, #tpu.memory_space<vmem>> -> memref<1x128xi32, #tpu.memory_space<vmem>>
      %dma_wait3A_85 = tpu.memref_squeeze %dma_wait3A_84 : memref<1x128xi32, #tpu.memory_space<vmem>> -> memref<128xi32, #tpu.memory_space<vmem>>
      %dma_wait3A_86 = arith.constant 0 : i32
      %dma_wait3A_87 = arith.constant 0 : i32
      %dma_wait3A_88 = tpu.memref_slice %arg13[%dma_wait3A_86, %dma_wait3A_87] : memref<10112x128xf32, #tpu.memory_space<vmem_shared>> -> memref<10112x128xf32, #tpu.memory_space<vmem_shared>>
      tpu.wait_indirect_dma semaphore(%run_scoped3A_76 : memref<!tpu.dma_semaphore, #tpu.memory_space<semaphore_mem>>) src(%arg10 : memref<128x128xf32, #tpu.memory_space<vmem>>) dst(%dma_wait3A_88 : memref<10112x128xf32, #tpu.memory_space<vmem_shared>>)
      tpu.yield
    }) : () -> ()
    %barrier3A_75 = arith.constant 0 : index
    tpu.barrier barrier_id(%barrier3A_75)
    "tpu.region"() ({
      %run_scoped3A_76 = tpu.sem_alloc : memref<!tpu.dma_semaphore, #tpu.memory_space<semaphore_mem>>
      %dma_start3A_77 = arith.constant 0 : i32
      %dma_start3A_78 = tpu.memref_slice %arg6[%arg0, %mul3A_2, %dma_start3A_77] : memref<2x10112x128xf32, #tpu.memory_space<hbm>> -> memref<1x632x128xf32, #tpu.memory_space<hbm>>
      %dma_start3A_79 = tpu.memref_squeeze %dma_start3A_78 : memref<1x632x128xf32, #tpu.memory_space<hbm>> -> memref<632x128xf32, #tpu.memory_space<hbm>>
      %dma_start3A_80 = arith.constant 0 : i32
      %dma_start3A_81 = tpu.memref_slice %arg13[%mul3A_2, %dma_start3A_80] : memref<10112x128xf32, #tpu.memory_space<vmem_shared>> -> memref<632x128xf32, #tpu.memory_space<vmem_shared>>
      tpu.enqueue_dma source(%dma_start3A_81 : memref<632x128xf32, #tpu.memory_space<vmem_shared>>) target(%dma_start3A_79 : memref<632x128xf32, #tpu.memory_space<hbm>>) target_semaphore(%run_scoped3A_76 : memref<!tpu.dma_semaphore, #tpu.memory_space<semaphore_mem>>)
      %dma_wait3A_82 = arith.constant 0 : i32
      %dma_wait3A_83 = tpu.memref_slice %arg6[%arg0, %mul3A_2, %dma_wait3A_82] : memref<2x10112x128xf32, #tpu.memory_space<hbm>> -> memref<1x632x128xf32, #tpu.memory_space<hbm>>
      %dma_wait3A_84 = tpu.memref_squeeze %dma_wait3A_83 : memref<1x632x128xf32, #tpu.memory_space<hbm>> -> memref<632x128xf32, #tpu.memory_space<hbm>>
      %dma_wait3A_85 = arith.constant 0 : i32
      %dma_wait3A_86 = tpu.memref_slice %arg13[%mul3A_2, %dma_wait3A_85] : memref<10112x128xf32, #tpu.memory_space<vmem_shared>> -> memref<632x128xf32, #tpu.memory_space<vmem_shared>>
      tpu.wait_dma2 semaphore(%run_scoped3A_76 : memref<!tpu.dma_semaphore, #tpu.memory_space<semaphore_mem>>) src(%dma_wait3A_86 : memref<632x128xf32, #tpu.memory_space<vmem_shared>>) dst(%dma_wait3A_84 : memref<632x128xf32, #tpu.memory_space<hbm>>)
      tpu.yield
    }) : () -> ()
    return
  }
}

module attributes {stable_mosaic.version = 14 : i64} {
  func.func @_layer_body(%arg0: i32, %arg1: memref<1000x128xf32, #tpu.memory_space<vmem>>, %arg2: memref<1000x128xf32, #tpu.memory_space<vmem>>, %arg3: memref<1000x128xf32, #tpu.memory_space<vmem>>, %arg4: memref<1000x128xf32, #tpu.memory_space<vmem>>, %arg5: memref<128x128xf32, #tpu.memory_space<vmem>>, %arg6: memref<1x128xf32, #tpu.memory_space<vmem>>, %arg7: memref<128x128xf32, #tpu.memory_space<vmem>>, %arg8: memref<1x128xf32, #tpu.memory_space<vmem>>, %arg9: memref<128x128xf32, #tpu.memory_space<vmem>>, %arg10: memref<1000x128xf32, #tpu.memory_space<vmem>>) attributes {dimension_semantics = [#tpu.dimension_semantics<arbitrary>], iteration_bounds = array<i64: 10>, scalar_prefetch = 0 : i64, scratch_operands = 0 : i64, tpu.core_type = #tpu.core_type<tc>, window_params = [{transform_indices = @transform_0, window_bounds = array<i64: 1000, 128>}, {transform_indices = @transform_1, window_bounds = array<i64: 1000, 128>}, {transform_indices = @transform_2, window_bounds = array<i64: 1000, 128>}, {transform_indices = @transform_3, window_bounds = array<i64: 1000, 128>}, {pipeline_mode = #tpu.pipeline_mode<synchronous>, transform_indices = @transform_4, window_bounds = array<i64: 128, 128>}, {pipeline_mode = #tpu.pipeline_mode<synchronous>, transform_indices = @transform_5, window_bounds = array<i64: 1, 128>}, {pipeline_mode = #tpu.pipeline_mode<synchronous>, transform_indices = @transform_6, window_bounds = array<i64: 128, 128>}, {pipeline_mode = #tpu.pipeline_mode<synchronous>, transform_indices = @transform_7, window_bounds = array<i64: 1, 128>}, {pipeline_mode = #tpu.pipeline_mode<synchronous>, transform_indices = @transform_8, window_bounds = array<i64: 128, 128>}, {transform_indices = @transform_9, window_bounds = array<i64: 1000, 128>}]} {
    %get3A = arith.constant 0 : index
    %get3A_0 = arith.constant 0 : index
    %get3A_1 = vector.load %arg4[%get3A, %get3A_0] : memref<1000x128xf32, #tpu.memory_space<vmem>>, vector<1000x128xf32>
    %get3A_2 = arith.constant 0 : index
    %get3A_3 = arith.constant 0 : index
    %get3A_4 = vector.load %arg5[%get3A_2, %get3A_3] : memref<128x128xf32, #tpu.memory_space<vmem>>, vector<128x128xf32>
    %dot_general3A = arith.constant dense<0.000000e+00> : vector<1000x128xf32>
    %dot_general3A_5 = tpu.matmul %get3A_1, %get3A_4, %dot_general3A {dimension_numbers = #tpu.dot_dimension_numbers<[1], [1], [0], [0], [0, 0, 1, 0], [], []>, transpose_lhs_hint = false} : vector<1000x128xf32>, vector<128x128xf32>, vector<1000x128xf32> -> vector<1000x128xf32>
    %get3A_6 = arith.constant 0 : index
    %get3A_7 = arith.constant 0 : index
    %get3A_8 = vector.load %arg6[%get3A_6, %get3A_7] : memref<1x128xf32, #tpu.memory_space<vmem>>, vector<1x128xf32>
    %add3A = vector.broadcast %get3A_8 : vector<1x128xf32> to vector<1000x128xf32>
    %add3A_9 = arith.addf %dot_general3A_5, %add3A : vector<1000x128xf32>
    %get3A_10 = arith.constant 0 : index
    %get3A_11 = arith.constant 0 : index
    %get3A_12 = vector.load %arg1[%get3A_10, %get3A_11] : memref<1000x128xf32, #tpu.memory_space<vmem>>, vector<1000x128xf32>
    %get3A_13 = arith.constant 0 : index
    %get3A_14 = arith.constant 0 : index
    %get3A_15 = vector.load %arg2[%get3A_13, %get3A_14] : memref<1000x128xf32, #tpu.memory_space<vmem>>, vector<1000x128xf32>
    %add3A_16 = arith.addf %get3A_12, %get3A_15 : vector<1000x128xf32>
    %get3A_17 = arith.constant 0 : index
    %get3A_18 = arith.constant 0 : index
    %get3A_19 = vector.load %arg7[%get3A_17, %get3A_18] : memref<128x128xf32, #tpu.memory_space<vmem>>, vector<128x128xf32>
    %dot_general3A_20 = arith.constant dense<0.000000e+00> : vector<1000x128xf32>
    %dot_general3A_21 = tpu.matmul %add3A_16, %get3A_19, %dot_general3A_20 {dimension_numbers = #tpu.dot_dimension_numbers<[1], [1], [0], [0], [0, 0, 1, 0], [], []>, transpose_lhs_hint = false} : vector<1000x128xf32>, vector<128x128xf32>, vector<1000x128xf32> -> vector<1000x128xf32>
    %get3A_22 = arith.constant 0 : index
    %get3A_23 = arith.constant 0 : index
    %get3A_24 = vector.load %arg8[%get3A_22, %get3A_23] : memref<1x128xf32, #tpu.memory_space<vmem>>, vector<1x128xf32>
    %add3A_25 = vector.broadcast %get3A_24 : vector<1x128xf32> to vector<1000x128xf32>
    %add3A_26 = arith.addf %dot_general3A_21, %add3A_25 : vector<1000x128xf32>
    %get3A_27 = arith.constant 0 : index
    %get3A_28 = arith.constant 0 : index
    %get3A_29 = vector.load %arg3[%get3A_27, %get3A_28] : memref<1000x128xf32, #tpu.memory_space<vmem>>, vector<1000x128xf32>
    %get3A_30 = arith.constant 0 : index
    %get3A_31 = arith.constant 0 : index
    %get3A_32 = vector.load %arg9[%get3A_30, %get3A_31] : memref<128x128xf32, #tpu.memory_space<vmem>>, vector<128x128xf32>
    %dot_general3A_33 = arith.constant dense<0.000000e+00> : vector<1000x128xf32>
    %dot_general3A_34 = tpu.matmul %get3A_29, %get3A_32, %dot_general3A_33 {dimension_numbers = #tpu.dot_dimension_numbers<[1], [1], [0], [0], [0, 0, 1, 0], [], []>, transpose_lhs_hint = false} : vector<1000x128xf32>, vector<128x128xf32>, vector<1000x128xf32> -> vector<1000x128xf32>
    %add3A_35 = arith.addf %add3A_26, %dot_general3A_34 : vector<1000x128xf32>
    %max3A = arith.constant 0.000000e+00 : f32
    %max3A_36 = vector.broadcast %max3A : f32 to vector<1000x128xf32>
    %max3A_37 = arith.maximumf %add3A_35, %max3A_36 : vector<1000x128xf32>
    %add3A_38 = arith.addf %max3A_37, %add3A_9 : vector<1000x128xf32>
    %swap3A = arith.constant 0 : index
    %swap3A_39 = arith.constant 0 : index
    %swap3A_40 = vector.load %arg10[%swap3A, %swap3A_39] : memref<1000x128xf32, #tpu.memory_space<vmem>>, vector<1000x128xf32>
    tpu.vector_store %arg10[%swap3A, %swap3A_39], %add3A_38 {strides = array<i32>} : memref<1000x128xf32, #tpu.memory_space<vmem>>, vector<1000x128xf32>,
    return
  }
  func.func @transform_0(%arg0: i32) -> (i32, i32) {
    %c0_i32 = arith.constant 0 : i32
    %c0_i32_0 = arith.constant 0 : i32
    return %arg0, %c0_i32 : i32, i32
  }
  func.func @transform_1(%arg0: i32) -> (i32, i32) {
    %c0_i32 = arith.constant 0 : i32
    %c0_i32_0 = arith.constant 0 : i32
    return %arg0, %c0_i32 : i32, i32
  }
  func.func @transform_2(%arg0: i32) -> (i32, i32) {
    %c0_i32 = arith.constant 0 : i32
    %c0_i32_0 = arith.constant 0 : i32
    return %arg0, %c0_i32 : i32, i32
  }
  func.func @transform_3(%arg0: i32) -> (i32, i32) {
    %c0_i32 = arith.constant 0 : i32
    %c0_i32_0 = arith.constant 0 : i32
    return %arg0, %c0_i32 : i32, i32
  }
  func.func @transform_4(%arg0: i32) -> (i32, i32) {
    %c0_i32 = arith.constant 0 : i32
    %c0_i32_0 = arith.constant 0 : i32
    %c0_i32_1 = arith.constant 0 : i32
    return %c0_i32, %c0_i32_0 : i32, i32
  }
  func.func @transform_5(%arg0: i32) -> (i32, i32) {
    %c0_i32 = arith.constant 0 : i32
    %c0_i32_0 = arith.constant 0 : i32
    %c0_i32_1 = arith.constant 0 : i32
    return %c0_i32, %c0_i32_0 : i32, i32
  }
  func.func @transform_6(%arg0: i32) -> (i32, i32) {
    %c0_i32 = arith.constant 0 : i32
    %c0_i32_0 = arith.constant 0 : i32
    %c0_i32_1 = arith.constant 0 : i32
    return %c0_i32, %c0_i32_0 : i32, i32
  }
  func.func @transform_7(%arg0: i32) -> (i32, i32) {
    %c0_i32 = arith.constant 0 : i32
    %c0_i32_0 = arith.constant 0 : i32
    %c0_i32_1 = arith.constant 0 : i32
    return %c0_i32, %c0_i32_0 : i32, i32
  }
  func.func @transform_8(%arg0: i32) -> (i32, i32) {
    %c0_i32 = arith.constant 0 : i32
    %c0_i32_0 = arith.constant 0 : i32
    %c0_i32_1 = arith.constant 0 : i32
    return %c0_i32, %c0_i32_0 : i32, i32
  }
  func.func @transform_9(%arg0: i32) -> (i32, i32) {
    %c0_i32 = arith.constant 0 : i32
    %c0_i32_0 = arith.constant 0 : i32
    return %arg0, %c0_i32 : i32, i32
  }
}

module attributes {stable_mosaic.version = 14 : i64} {
  func.func @_layer_body(%arg0: i32, %arg1: memref<1000x128xf32, #tpu.memory_space<vmem>>, %arg2: memref<1000x128xf32, #tpu.memory_space<vmem>>, %arg3: memref<1000x128xf32, #tpu.memory_space<vmem>>, %arg4: memref<1000x128xf32, #tpu.memory_space<vmem>>, %arg5: memref<128x128xf32, #tpu.memory_space<vmem>>, %arg6: memref<1x128xf32, #tpu.memory_space<vmem>>, %arg7: memref<128x128xf32, #tpu.memory_space<vmem>>, %arg8: memref<1x128xf32, #tpu.memory_space<vmem>>, %arg9: memref<128x128xf32, #tpu.memory_space<vmem>>, %arg10: memref<1000x128xf32, #tpu.memory_space<vmem>>) attributes {dimension_semantics = [#tpu.dimension_semantics<arbitrary>], iteration_bounds = array<i64: 10>, scalar_prefetch = 0 : i64, scratch_operands = 0 : i64, tpu.core_type = #tpu.core_type<tc>, window_params = [{transform_indices = @transform_0, window_bounds = array<i64: 1000, 128>}, {transform_indices = @transform_1, window_bounds = array<i64: 1000, 128>}, {transform_indices = @transform_2, window_bounds = array<i64: 1000, 128>}, {transform_indices = @transform_3, window_bounds = array<i64: 1000, 128>}, {pipeline_mode = #tpu.pipeline_mode<synchronous>, transform_indices = @transform_4, window_bounds = array<i64: 128, 128>}, {pipeline_mode = #tpu.pipeline_mode<synchronous>, transform_indices = @transform_5, window_bounds = array<i64: 1, 128>}, {pipeline_mode = #tpu.pipeline_mode<synchronous>, transform_indices = @transform_6, window_bounds = array<i64: 128, 128>}, {pipeline_mode = #tpu.pipeline_mode<synchronous>, transform_indices = @transform_7, window_bounds = array<i64: 1, 128>}, {pipeline_mode = #tpu.pipeline_mode<synchronous>, transform_indices = @transform_8, window_bounds = array<i64: 128, 128>}, {transform_indices = @transform_9, window_bounds = array<i64: 1000, 128>}]} {
    %get3A = arith.constant 0 : index
    %get3A_0 = arith.constant 0 : index
    %get3A_1 = vector.load %arg4[%get3A, %get3A_0] : memref<1000x128xf32, #tpu.memory_space<vmem>>, vector<1000x128xf32>
    %get3A_2 = arith.constant 0 : index
    %get3A_3 = arith.constant 0 : index
    %get3A_4 = vector.load %arg5[%get3A_2, %get3A_3] : memref<128x128xf32, #tpu.memory_space<vmem>>, vector<128x128xf32>
    %dot_general3A = arith.constant dense<0.000000e+00> : vector<1000x128xf32>
    %dot_general3A_5 = tpu.matmul %get3A_1, %get3A_4, %dot_general3A {dimension_numbers = #tpu.dot_dimension_numbers<[1], [1], [0], [0], [0, 0, 1, 0], [], []>, transpose_lhs_hint = false} : vector<1000x128xf32>, vector<128x128xf32>, vector<1000x128xf32> -> vector<1000x128xf32>
    %get3A_6 = arith.constant 0 : index
    %get3A_7 = arith.constant 0 : index
    %get3A_8 = vector.load %arg6[%get3A_6, %get3A_7] : memref<1x128xf32, #tpu.memory_space<vmem>>, vector<1x128xf32>
    %add3A = vector.broadcast %get3A_8 : vector<1x128xf32> to vector<1000x128xf32>
    %add3A_9 = arith.addf %dot_general3A_5, %add3A : vector<1000x128xf32>
    %get3A_10 = arith.constant 0 : index
    %get3A_11 = arith.constant 0 : index
    %get3A_12 = vector.load %arg1[%get3A_10, %get3A_11] : memref<1000x128xf32, #tpu.memory_space<vmem>>, vector<1000x128xf32>
    %get3A_13 = arith.constant 0 : index
    %get3A_14 = arith.constant 0 : index
    %get3A_15 = vector.load %arg2[%get3A_13, %get3A_14] : memref<1000x128xf32, #tpu.memory_space<vmem>>, vector<1000x128xf32>
    %add3A_16 = arith.addf %get3A_12, %get3A_15 : vector<1000x128xf32>
    %get3A_17 = arith.constant 0 : index
    %get3A_18 = arith.constant 0 : index
    %get3A_19 = vector.load %arg7[%get3A_17, %get3A_18] : memref<128x128xf32, #tpu.memory_space<vmem>>, vector<128x128xf32>
    %dot_general3A_20 = arith.constant dense<0.000000e+00> : vector<1000x128xf32>
    %dot_general3A_21 = tpu.matmul %add3A_16, %get3A_19, %dot_general3A_20 {dimension_numbers = #tpu.dot_dimension_numbers<[1], [1], [0], [0], [0, 0, 1, 0], [], []>, transpose_lhs_hint = false} : vector<1000x128xf32>, vector<128x128xf32>, vector<1000x128xf32> -> vector<1000x128xf32>
    %get3A_22 = arith.constant 0 : index
    %get3A_23 = arith.constant 0 : index
    %get3A_24 = vector.load %arg8[%get3A_22, %get3A_23] : memref<1x128xf32, #tpu.memory_space<vmem>>, vector<1x128xf32>
    %add3A_25 = vector.broadcast %get3A_24 : vector<1x128xf32> to vector<1000x128xf32>
    %add3A_26 = arith.addf %dot_general3A_21, %add3A_25 : vector<1000x128xf32>
    %get3A_27 = arith.constant 0 : index
    %get3A_28 = arith.constant 0 : index
    %get3A_29 = vector.load %arg3[%get3A_27, %get3A_28] : memref<1000x128xf32, #tpu.memory_space<vmem>>, vector<1000x128xf32>
    %get3A_30 = arith.constant 0 : index
    %get3A_31 = arith.constant 0 : index
    %get3A_32 = vector.load %arg9[%get3A_30, %get3A_31] : memref<128x128xf32, #tpu.memory_space<vmem>>, vector<128x128xf32>
    %dot_general3A_33 = arith.constant dense<0.000000e+00> : vector<1000x128xf32>
    %dot_general3A_34 = tpu.matmul %get3A_29, %get3A_32, %dot_general3A_33 {dimension_numbers = #tpu.dot_dimension_numbers<[1], [1], [0], [0], [0, 0, 1, 0], [], []>, transpose_lhs_hint = false} : vector<1000x128xf32>, vector<128x128xf32>, vector<1000x128xf32> -> vector<1000x128xf32>
    %add3A_35 = arith.addf %add3A_26, %dot_general3A_34 : vector<1000x128xf32>
    %max3A = arith.constant 0.000000e+00 : f32
    %max3A_36 = vector.broadcast %max3A : f32 to vector<1000x128xf32>
    %max3A_37 = arith.maximumf %add3A_35, %max3A_36 : vector<1000x128xf32>
    %add3A_38 = arith.addf %max3A_37, %add3A_9 : vector<1000x128xf32>
    %swap3A = arith.constant 0 : index
    %swap3A_39 = arith.constant 0 : index
    %swap3A_40 = vector.load %arg10[%swap3A, %swap3A_39] : memref<1000x128xf32, #tpu.memory_space<vmem>>, vector<1000x128xf32>
    tpu.vector_store %arg10[%swap3A, %swap3A_39], %add3A_38 {strides = array<i32>} : memref<1000x128xf32, #tpu.memory_space<vmem>>, vector<1000x128xf32>,
    return
  }
  func.func @transform_0(%arg0: i32) -> (i32, i32) {
    %c0_i32 = arith.constant 0 : i32
    %c0_i32_0 = arith.constant 0 : i32
    return %arg0, %c0_i32 : i32, i32
  }
  func.func @transform_1(%arg0: i32) -> (i32, i32) {
    %c0_i32 = arith.constant 0 : i32
    %c0_i32_0 = arith.constant 0 : i32
    return %arg0, %c0_i32 : i32, i32
  }
  func.func @transform_2(%arg0: i32) -> (i32, i32) {
    %c0_i32 = arith.constant 0 : i32
    %c0_i32_0 = arith.constant 0 : i32
    return %arg0, %c0_i32 : i32, i32
  }
  func.func @transform_3(%arg0: i32) -> (i32, i32) {
    %c0_i32 = arith.constant 0 : i32
    %c0_i32_0 = arith.constant 0 : i32
    return %arg0, %c0_i32 : i32, i32
  }
  func.func @transform_4(%arg0: i32) -> (i32, i32) {
    %c0_i32 = arith.constant 0 : i32
    %c0_i32_0 = arith.constant 0 : i32
    %c0_i32_1 = arith.constant 0 : i32
    return %c0_i32, %c0_i32_0 : i32, i32
  }
  func.func @transform_5(%arg0: i32) -> (i32, i32) {
    %c0_i32 = arith.constant 0 : i32
    %c0_i32_0 = arith.constant 0 : i32
    %c0_i32_1 = arith.constant 0 : i32
    return %c0_i32, %c0_i32_0 : i32, i32
  }
  func.func @transform_6(%arg0: i32) -> (i32, i32) {
    %c0_i32 = arith.constant 0 : i32
    %c0_i32_0 = arith.constant 0 : i32
    %c0_i32_1 = arith.constant 0 : i32
    return %c0_i32, %c0_i32_0 : i32, i32
  }
  func.func @transform_7(%arg0: i32) -> (i32, i32) {
    %c0_i32 = arith.constant 0 : i32
    %c0_i32_0 = arith.constant 0 : i32
    %c0_i32_1 = arith.constant 0 : i32
    return %c0_i32, %c0_i32_0 : i32, i32
  }
  func.func @transform_8(%arg0: i32) -> (i32, i32) {
    %c0_i32 = arith.constant 0 : i32
    %c0_i32_0 = arith.constant 0 : i32
    %c0_i32_1 = arith.constant 0 : i32
    return %c0_i32, %c0_i32_0 : i32, i32
  }
  func.func @transform_9(%arg0: i32) -> (i32, i32) {
    %c0_i32 = arith.constant 0 : i32
    %c0_i32_0 = arith.constant 0 : i32
    return %arg0, %c0_i32 : i32, i32
  }
}

</mosaic_0001>

<sc_bundles>
// kernel: kernel.6.cloned.1.call-start
scs
__scs_entry_jumppad:
0x0: {  	(pc) =	sbr.rel $0x88, $3  }
0x1: {  	(tag) =	ssettag $0x0;
	lr =	simm.s32 $0x1  }
0x2: {  	[smem:$0x3F97] =	sst lr;
	_ =	strace $0xD0000000  }
0x3: {  	_ = 	snop  }
0x4: {  	_ = 	snop  }
0x5: {  	_ = 	snop  }
0x6: {  	_ = 	snop  }
0x7: {  	_ = 	snop  }
__scs_overlays_trampoline_lowered:
0x8: {  	[smem:$0x3FA6] =	sst s0  }
0x9: {  	[smem:$0x3FA7] =	sst s1  }
0xa: {  	[smem:$0x3FA8] =	sst s2  }
0xb: {  	[smem:$0x3FA9] =	sst s3  }
0xc: {  	[smem:$0x3FAA] =	sst s4  }
0xd: {  	[smem:$0x3FAB] =	sst s5  }
0xe: {  	[smem:$0x3FAC] =	sst s6  }
0xf: {  	[smem:$0x3FAD] =	sst s7  }
0x10: {  	[smem:$0x3FAE] =	sst s8  }
0x11: {  	[smem:$0x3FAF] =	sst s9;
	s0 =	simm.s32 @!p0 $0x0  }
0x12: {  	s1 =	sld [smem:$0x3F95];
	s0 =	simm.s32 @p0 $0x1  }
0x13: {  	[smem:$0x3FB0] =	sst s0;
	s0 =	simm.s32 @!p1 $0x0  }
0x14: {  	s2 =	sld [smem:$0x3F94];
	s0 =	simm.s32 @p1 $0x1  }
0x15: {  	[smem:$0x3FB1] =	sst s0;
	s0 =	simm.s32 @!p2 $0x0  }
0x16: {  	s3 =	sld [smem:$0x3FDB];
	s0 =	simm.s32 @p2 $0x1  }
0x17: {  	s4 =	simm.s32 $0x1BF5;
	[smem:$0x3FB3] =	sst s0  }
0x18: {  	s0 =	sld [smem:$0x3F96];
	_ =	swait.ge [sflag:s4], $0x0  }
0x19: {  	s7 =	sld [smem:$0x3F97]  }
0x1a: {  	s8 =	sadd.s32 $0xFFFFE003, lr  }
0x1b: {  	s9 =	sadd.s32 $0xFFFFFEF7, lr;
	s5 =	simm.s32 $0xFFFFFFFF;
	p2 =	slt.u32 s8, $0xFFFFF086  }
0x1c: {  	p1 =	slt.u32 s9, $0xF7A;
	s5 =	simm.s32 @!p2 $0x0  }
0x1d: {  	s5 =	simm.s32 @p1 $0x1;
	p0 =	seq.s32 s7, s2  }
0x1e: {  	s7 =	smul.u32 @!p0 $0xF7A, s2;
	p2 =	seq.s32 @!p0 s5, $0x0  }
0x1f: {  	s9 =	smul.u32 $0xF7A, s1;
	s8 =	simm.s32 @!p0 $0x1BF5;
	p2 =	por !p2, p0  }
0x20: {  	[sflag:s8] =	ssyncset.s32 @!p0 $0xFFFFF086;
	s6 =	sadd.s32 @!p0 s3, s7;
	s7 =	simm.s32 @!p0 $0x108  }
0x21: {  	s3 =	sadd.s32 s3, s9;
	s6 =	sadd.s32 @!p0 $0x88, s6;
	s7 =	simm.s32 @p2 $0x1082  }
0x22: {  	[simem:s7], [sflag:s8] =	dma.local @!p0 [hbm:s6], $0xF7A  }
0x23: {  	s9 =	sor.u32 $0xD0000000, s2;
	s6 =	simm.s32 $0x108;
	_ =	swait.ge @!p0 [sflag:s8], $0x0  }
0x24: {  	s3 =	sadd.s32 $0x88, s3;
	s6 =	simm.s32 @!p1 $0x1082;
	[sflag:s4] =	ssyncset.s32 $0xFFFFF086  }
0x25: {  	[simem:s6], [sflag:s4] =	dma.local [hbm:s3], $0xF7A  }
0x26: {  	[smem:$0x3F97] =	sst s1;
	(tag) =	ssettag s2;
	_ =	strace s9  }
0x27: {  	s1 =	sld [smem:$0x3FA7]  }
0x28: {  	s2 =	sld [smem:$0x3FA8]  }
0x29: {  	s4 =	sld [smem:$0x3FAA]  }
0x2a: {  	p0 =	seq.s32 s5, $0x0;
	s5 =	sld [smem:$0x3FAB]  }
0x2b: {  	s6 =	sld [smem:$0x3FAC]  }
0x2c: {  	s7 =	sld [smem:$0x3FAD]  }
0x2d: {  	s3 =	simm.s32 $0x108;
	s8 =	sld [smem:$0x3FAE]  }
0x2e: {  	s3 =	simm.s32 @!p0 $0x1082;
	s9 =	sld [smem:$0x3FAF]  }
0x2f: {  	lr =	sadd.s32 s0, s3;
	s0 =	sld [smem:$0x3FA6]  }
0x30: {  	s3 =	sld [smem:$0x3FA9]  }
0x31: {  	[smem:$0x3FB2] =	sst s10  }
0x32: {  	s10 =	sld [smem:$0x3FB0];
	_ =	sdelay $0x3  }
0x33: {  	p0 =	seq.s32 s10, $0x1;
	s10 =	sld [smem:$0x3FB2];
	_ =	sdelay $0x3  }
0x34: {  	[smem:$0x3FB2] =	sst s10  }
0x35: {  	s10 =	sld [smem:$0x3FB1];
	_ =	sdelay $0x3  }
0x36: {  	p1 =	seq.s32 s10, $0x1;
	s10 =	sld [smem:$0x3FB2];
	_ =	sdelay $0x3  }
0x37: {  	[smem:$0x3FB2] =	sst s10  }
0x38: {  	s10 =	sld [smem:$0x3FB3]  }
0x39: {  	_ = 	snop;
	(pc) =	sbr.ind lr, $3  }
0x3a: {  	_ = 	snop  }
0x3b: {  	_ = 	snop  }
0x3c: {  	p2 =	seq.s32 s10, $0x1;
	s10 =	sld [smem:$0x3FB2]  }
0x3d: {  	_ =	shalt  }
0x3e: {  	_ =	shalt  }
0x3f: {  	_ =	shalt  }
0x40: {  	_ =	shalt  }
0x41: {  	_ =	shalt  }
0x42: {  	_ =	shalt  }
0x43: {  	_ =	shalt  }
0x44: {  	_ =	shalt  }
0x45: {  	_ =	shalt  }
0x46: {  	_ =	shalt  }
0x47: {  	_ =	shalt  }
0x48: {  	_ =	shalt  }
0x49: {  	_ =	shalt  }
0x4a: {  	_ =	shalt  }
0x4b: {  	_ =	shalt  }
0x4c: {  	_ =	shalt  }
0x4d: {  	_ =	shalt  }
0x4e: {  	_ =	shalt  }
0x4f: {  	_ =	shalt  }
0x50: {  	_ =	shalt  }
0x51: {  	_ =	shalt  }
0x52: {  	_ =	shalt  }
0x53: {  	_ =	shalt  }
0x54: {  	_ =	shalt  }
0x55: {  	_ =	shalt  }
0x56: {  	_ =	shalt  }
0x57: {  	_ =	shalt  }
0x58: {  	_ =	shalt  }
0x59: {  	_ =	shalt  }
0x5a: {  	_ =	shalt  }
0x5b: {  	_ =	shalt  }
0x5c: {  	_ =	shalt  }
0x5d: {  	_ =	shalt  }
0x5e: {  	_ =	shalt  }
0x5f: {  	_ =	shalt  }
0x60: {  	_ =	shalt  }
0x61: {  	_ =	shalt  }
0x62: {  	_ =	shalt  }
0x63: {  	_ =	shalt  }
0x64: {  	_ =	shalt  }
0x65: {  	_ =	shalt  }
0x66: {  	_ =	shalt  }
0x67: {  	_ =	shalt  }
0x68: {  	_ =	shalt  }
0x69: {  	_ =	shalt  }
0x6a: {  	_ =	shalt  }
0x6b: {  	_ =	shalt  }
0x6c: {  	_ =	shalt  }
0x6d: {  	_ =	shalt  }
0x6e: {  	_ =	shalt  }
0x6f: {  	_ =	shalt  }
0x70: {  	_ =	shalt  }
0x71: {  	_ =	shalt  }
0x72: {  	_ =	shalt  }
0x73: {  	_ =	shalt  }
0x74: {  	_ =	shalt  }
0x75: {  	_ =	shalt  }
0x76: {  	_ =	shalt  }
0x77: {  	_ =	shalt  }
0x78: {  	_ =	shalt  }
0x79: {  	_ =	shalt  }
0x7a: {  	_ =	shalt  }
0x7b: {  	_ =	shalt  }
0x7c: {  	_ =	shalt  }
0x7d: {  	_ =	shalt  }
0x7e: {  	_ =	shalt  }
0x7f: {  	_ =	shalt  }
0x80: {  	_ =	shalt  }
0x81: {  	_ =	shalt  }
0x82: {  	_ =	shalt  }
0x83: {  	_ =	shalt  }
0x84: {  	_ =	shalt  }
0x85: {  	_ =	shalt  }
0x86: {  	_ =	shalt  }
0x87: {  	_ =	shalt  }
.Lfunc_end0:
.L_simem_size_0:
called_computation_lowered:
.L_overlay_start_0:
0x88: {  	s2 =	sld [smem:$0x3FD9]  }
0x89: {  	s3 =	sld [smem:$0x3FFE];
	_ =	sdelay $0x1  }
0x8a: {  	s1 =	srdreg.scid  }
0x8b: {  	s0 =	sand.u32 $0x1, s1  }
0x8c: {  	s17 =	sshll.u32 s0, $0xA;
	s2 =	sadd.s32 s3, s2  }
0x8d: {  	s2 =	sadd.s32 s2, s17  }
0x8e: {  	[smem:$0x3FBE] =	sst s2  }
0x8f: {  	_ = 	snop  }
0x90: {  	s2 =	sld [smem:$0x3FC9];
	(tm) =	ssettm $0x1  }
0x91: {  	s18 =	sld [smem:$0x3FFB];
	_ =	sdelay $0x3  }
0x92: {  	_ =	strace s18  }
0x93: {  	s3 =	sld [smem:$0x3FFC];
	_ =	sdelay $0x3  }
0x94: {  	_ =	strace s3  }
0x95: {  	s3 =	sld [smem:$0x3FFD];
	_ =	sdelay $0x3  }
0x96: {  	_ =	strace s3  }
0x97: {  	_ =	strace $0x8FFFFFFF  }
0x98: {  	s19 =	sld [smem:$0x3FDB];
	_ =	sdelay $0x1  }
0x99: {  	s4 =	simm.s32 $_scs_section_size  }
0x9a: {  	s5 =	simm.s32 $_size__tile_overlayer_lowered;
	s6 =	simm.s32 $_tile_overlayer_lowered  }
0x9b: {  	s22 =	simm.s32 $0x1BFF;
	s21 =	sshll.u32 s6, $0x1;
	s3 =	sadd.s32 s4, s19  }
0x9c: {  	s7 =	simm.s32 $0x0;
	s20 =	sshll.u32 s5, $0x1;
	s5 =	sadd.s32 s21, s3  }
0x9d: {  	[timem:s7], [sflag:s22] =	dma.local [hbm:s5], s20  }
0x9e: {  	_ =	swait.ge [sflag:s22], s20  }
0x9f: {  	s4 =	ssub.s32 $0x0, s20;
	[sflag:s22] =	ssyncset.done $0x0  }
0xa0: {  	[sflag:s22] =	ssyncadd.s32 s4;
	_ =	sdelay $0x1  }
0xa1: {  	s23 =	simm.s32 $0x1B8B  }
0xa2: {  	_ =	swait.ge [sflag:s23], $0x1  }
0xa3: {  	[sflag:s23] =	ssyncset.done $0x0  }
0xa4: {  	s25 =	simm.s32 $0x1B8E;
	s24 =	sld [smem:$0x3FFE];
	[sflag:s23] =	ssyncadd.s32 $0xFFFFFFFF  }
0xa5: {  	s26 =	simm.s32 $execute0_lowered;
	[smem:$0x3FD2] =	sst s25  }
0xa6: {  	s5 =	sshll.u32 s26, $0x1;
	_ =	strace $0x80000046;
	[dreg:$0x1] =	wrdreg $0xFFFFFFFF  }
0xa7: {  	s28 =	simm.s32 $_size_execute0_lowered;
	s3 =	sadd.s32 s3, s5;
	[dreg:$0x0] =	wrdreg $0x0  }
0xa8: {  	s5 =	sshll.u32 s28, $0x1;
	[dreg:$0x2] =	wrdreg s3  }
0xa9: {  	[dreg:$0x3] =	wrdreg s5  }
0xaa: {  	[dreg:$0x4] =	wrdreg $0xC0  }
0xab: {  	_ =	task [dreg:s7], $0x5FFFF  }
0xac: {  	[dreg:$0x1] =	wrdreg $0xFFFFFFFF  }
0xad: {  	[dreg:$0x0] =	wrdreg $0x60  }
0xae: {  	[dreg:$0x2] =	wrdreg s2  }
0xaf: {  	[dreg:$0x3] =	wrdreg s24  }
0xb0: {  	[dreg:$0x4] =	wrdreg $0xA8000  }
0xb1: {  	[dreg:$0x5] =	wrdreg $0x9  }
0xb2: {  	_ =	task.clear_ibuf [dreg:s7], $0x6FFFF;
	_ =	strace $0x90000046  }
0xb3: {  	s29 =	simm.s32 $0x9;
	_ =	strace $0x80000048  }
0xb4: {  	_ =	swait.ge [sflag:s29], $0x1  }
0xb5: {  	[sflag:s29] =	ssyncadd.s32 $0xFFFFFFFF  }
0xb6: {  	_ =	strace $0x90000048  }
0xb7: {  	_ =	sfence  }
0xb8: {  	s30 =	sld [smem:$0x0];
	_ =	sdelay $0x2  }
0xb9: {  	s31 =	sshll.u32 s1, $0xD;
	s1 =	sshrl.u32 s1, $0x2  }
0xba: {  	s3 =	sand.u32 $0x4000, s31;
	s1 =	sadd.s32 s1, s30  }
0xbb: {  	s0 =	sor.u32 s3, s0;
	s1 =	sshll.u32 s1, $0x11  }
0xbc: {  	s0 =	sor.u32 s1, s0  }
0xbd: {  	s0 =	sadd.s32 $0x8F2B, s0  }
0xbe: {  	[sflag:s0] =	ssyncadd.remote.s32 $0x1  }
0xbf: {  	_ =	sfence.sel $0xFFFF  }
0xc0: {  	[dreg:$0x0] =	wrdreg $0xFFFFFFFF;
	(pc) =	sbr.abs _section_cstart, $3  }
0xc1: {  	[dreg:$0x1] =	wrdreg $0xFFFFFFFF  }
0xc2: {  	_ =	task.clear_ibuf [dreg:s7], $0x2FFFF;
	_ =	strace $0x9FFFFFFF  }
0xc3: {  	(tm) =	ssettm $0x7FFFFFFF  }
tec
execute0_lowered:
.L_overlay_start_1:
0x0: {  	(tag) =	ssettag $0x1  }
0x1: {  	s2 =	rddreg [dreg:$0x0]  }
0x2: {  	s5 =	rddreg [dreg:$0x1]  }
0x3: {  	s3 =	rddreg [dreg:$0x2]  }
0x4: {  	s0 =	rddreg [dreg:$0x3]  }
0x5: {  	s1 =	stileid.u32;
	s6 =	srdreg.scid  }
0x6: {  	s4 =	simm.s32 $0x0;
	s16 =	simm.s32 $0x80;
	s17 =	simm.s32 $0x2800  }
0x7: {  	s18 =	simm.s32 $0x6800;
	s19 =	simm.s32 $0x1;
	s20 =	simm.s32 $0x2  }
0x8: {  	s21 =	simm.s32 $0x2700;
	s22 =	simm.s32 $0x2780;
	s7 =	smul.u32 $0x13C00, s1  }
0x9: {  	s6 =	sand.u32 $0x1, s6;
	[smem:$0x7FF] =	sst s4;
	s9 =	sadd.s32 $0x2200, s5  }
0xa: {  	s11 =	sadd.s32 $0xC200, s5;
	s12 =	smul.u32 $0x4F000, s1;
	s29 =	sshll.u32 s1, $0x6  }
0xb: {  	s8 =	smul.u32 $0x13C000, s6;
	_ =	strace $0x80000047;
	s24 =	ssub.s32 $0x2, s6  }
0xc: {  	s6 =	sshll.u32 s6, $0x4;
	s10 =	sshrl.u32 s7, $0x3;
	s25 =	sshrl.u32 s24, $0x1  }
0xd: {  	s6 =	sor.u32 s1, s6;
	s26 =	sshrl.u32 s12, $0x2;
	s7 =	sadd.s32 s7, s8  }
0xe: {  	s23 =	sadd.s32 s10, s5;
	s14 =	ssub.s32 s24, s25;
	s28 =	smul.u32 $0x2800, s6  }
0xf: {  	s15 =	sadd.s32 s26, s3;
	s30 =	smul.u32 $0x500, s6;
	s6 =	sor.u32 $0x1C03, s29  }
0x10: {  	s7 =	sshrl.u32 s7, $0x3;
	s12 =	smax.u32 s14, $0x1;
	s14 =	simm.s32 $0x3  }
0x11: {  	s13 =	sadd.s32 s7, s5;
	s5 =	sadd.s32 $0x16200, s23;
	s31 =	sshrl.u32 s28, $0x3  }
0x12: {  	s7 =	sadd.s32 s9, s30;
	s8 =	sadd.s32 s11, s30;
	s10 =	sadd.s32 $0x280, s31  }
0x13: {  	s23 =	simm.s32 $0x0;
	s9 =	sadd.s32 s9, s10;
	s10 =	sadd.s32 s11, s10  }
0x14: {  	s11 =	sadd.s32 $0x3DA00, s13;
	s13 =	sshrl.u32 s15, $0x3;
	s15 =	simm.s32 $0x1400  }
.LBB2_1:
0x15: {  	[spmem:s13], [sflag:s6] =	dma.local [hbm:s5], $0x2780  }
0x16: {  	_ =	swait.ge [sflag:s14], $0x2780  }
0x17: {  	[sflag:s14] =	ssyncset.done $0x0  }
0x18: {  	[sflag:s14] =	ssyncadd.s32 $0xFFFFD880  }
0x19: {  	[bflag:$0x0] =	sbarrier.arrive $0xFFFF  }
0x1a: {  	[tilespmem:s4], [sflag:$0x3] =	stream.linear.gather [hbm4b:s7+s4], $0x1400, $0x38;
	[tilespmem:$0x1E400] =	vst v63  }
0x1b: {  	_ =	swait.ge [sflag:s14], $0x1400  }
0x1c: {  	[sflag:s14] =	ssyncset.done $0x0  }
0x1d: {  	[sflag:s14] =	ssyncadd.s32 $0xFFFFEC00  }
0x1e: {  	[tilespmem:s15], [sflag:$0x3] =	stream.linear.gather [hbm4b:s8+s4], $0x1400, $0x38;
	[tilespmem:$0x1E400] =	vst v63  }
0x1f: {  	_ =	swait.ge [sflag:s14], $0x1400  }
0x20: {  	[sflag:s14] =	ssyncset.done $0x0  }
0x21: {  	[sflag:s14] =	ssyncadd.s32 $0xFFFFEC00  }
0x22: {  	[tilespmem:s17], [sflag:$0x1] =	stream.indirect.gather [hbm4b:s2+s16], $0x80, s4, s16, $0xb8;
	[tilespmem:$0x1E400] =	vst v63  }
0x23: {  	_ = 	snop  }
0x24: {  	[tilespmem:s18], [sflag:$0x2] =	stream.indirect.gather [hbm4b:s2+s16], $0x80, s16, s16, $0xb8;
	[tilespmem:$0x1E400] =	vst v63  }
0x25: {  	_ =	swait.ge [sflag:s19], $0x4000  }
0x26: {  	[sflag:s19] =	ssyncset.done $0x0  }
0x27: {  	s24 =	simm.s32 $0x1400;
	[sflag:s19] =	ssyncadd.s32 $0xFFFFC000  }
0x28: {  	[spmem:s3] =	stream.indirect.scatter.add.f32 [tilespmem:s17], [sflag:$0x3], $0x80, s24, s16, $0xb8;
	[tilespmem:$0x1E400] =	vst v63  }
0x29: {  	_ =	swait.ge [sflag:s14], $0x4000  }
0x2a: {  	[sflag:s14] =	ssyncset.done $0x0  }
0x2b: {  	s30 =	simm.s32 $0x100;
	[sflag:s14] =	ssyncadd.s32 $0xFFFFC000  }
0x2c: {  	[tilespmem:s17], [sflag:$0x1] =	stream.indirect.gather [hbm4b:s2+s16], $0x80, s30, s16, $0xb8;
	[tilespmem:$0x1E400] =	vst v63  }
0x2d: {  	_ =	swait.ge [sflag:s20], $0x4000  }
0x2e: {  	[sflag:s20] =	ssyncset.done $0x0  }
0x2f: {  	s31 =	simm.s32 $0x1480;
	[sflag:s20] =	ssyncadd.s32 $0xFFFFC000  }
0x30: {  	[spmem:s3] =	stream.indirect.scatter.add.f32 [tilespmem:s18], [sflag:$0x3], $0x80, s31, s16, $0xb8;
	[tilespmem:$0x1E400] =	vst v63  }
0x31: {  	_ =	swait.ge [sflag:s14], $0x4000  }
0x32: {  	[sflag:s14] =	ssyncset.done $0x0  }
0x33: {  	s25 =	simm.s32 $0x180;
	s24 =	simm.s32 $0x400;
	[sflag:s14] =	ssyncadd.s32 $0xFFFFC000  }
.LBB2_2:
0x34: {  	[tilespmem:s18], [sflag:$0x2] =	stream.indirect.gather [hbm4b:s2+s16], $0x80, s25, s16, $0xb8;
	[tilespmem:$0x1E400] =	vst v63  }
0x35: {  	s25 =	smov.u32 s24  }
0x36: {  	p0 =	sne.s32 s24, $0x4800;
	s24 =	sadd.s32 $0x400, s24;
	_ =	swait.ge [sflag:s19], $0x4000  }
0x37: {  	s25 =	sshra.s32 s25, $0x2;
	[sflag:s19] =	ssyncset.done $0x0  }
0x38: {  	s26 =	sadd.s32 $0x1400, s25;
	[sflag:s19] =	ssyncadd.s32 $0xFFFFC000  }
0x39: {  	[spmem:s3] =	stream.indirect.scatter.add.f32 [tilespmem:s17], [sflag:$0x3], $0x80, s26, s16, $0xb8;
	[tilespmem:$0x1E400] =	vst v63  }
0x3a: {  	_ =	swait.ge [sflag:s14], $0x4000  }
0x3b: {  	[sflag:s14] =	ssyncset.done $0x0  }
0x3c: {  	s26 =	sadd.s32 $0x100, s25;
	[sflag:s14] =	ssyncadd.s32 $0xFFFFC000  }
0x3d: {  	[tilespmem:s17], [sflag:$0x1] =	stream.indirect.gather [hbm4b:s2+s16], $0x80, s26, s16, $0xb8;
	[tilespmem:$0x1E400] =	vst v63  }
0x3e: {  	_ =	swait.ge [sflag:s20], $0x4000  }
0x3f: {  	[sflag:s20] =	ssyncset.done $0x0  }
.Ltmp0:
0x40: {  	s26 =	sadd.s32 $0x1480, s25;
	[sflag:s20] =	ssyncadd.s32 $0xFFFFC000;
	(pc) =	sbr.rel @p0 .LBB2_2-.Ltmp0, $4  }
0x41: {  	[spmem:s3] =	stream.indirect.scatter.add.f32 [tilespmem:s18], [sflag:$0x3], $0x80, s26, s16, $0xb8;
	[tilespmem:$0x1E400] =	vst v63  }
0x42: {  	_ =	swait.ge [sflag:s14], $0x4000  }
0x43: {  	[sflag:s14] =	ssyncset.done $0x0  }
0x44: {  	s25 =	sadd.s32 $0x180, s25;
	[sflag:s14] =	ssyncadd.s32 $0xFFFFC000  }
0x45: {  	[tilespmem:s18], [sflag:$0x2] =	stream.indirect.gather [hbm4b:s2+s16], $0x80, s25, s16, $0xb8;
	[tilespmem:$0x1E400] =	vst v63  }
0x46: {  	_ =	swait.ge [sflag:s19], $0x4000  }
0x47: {  	[sflag:s19] =	ssyncset.done $0x0  }
0x48: {  	[sflag:s19] =	ssyncadd.s32 $0xFFFFC000  }
0x49: {  	[spmem:s3] =	stream.indirect.scatter.add.f32 [tilespmem:s17], [sflag:$0x3], $0x80, s21, s16, $0xb8;
	[tilespmem:$0x1E400] =	vst v63  }
0x4a: {  	_ =	swait.ge [sflag:s14], $0x4000  }
0x4b: {  	[sflag:s14] =	ssyncset.done $0x0  }
0x4c: {  	[sflag:s14] =	ssyncadd.s32 $0xFFFFC000  }
0x4d: {  	_ =	swait.ge [sflag:s20], $0x4000  }
0x4e: {  	[sflag:s20] =	ssyncset.done $0x0  }
0x4f: {  	[sflag:s20] =	ssyncadd.s32 $0xFFFFC000  }
0x50: {  	[spmem:s3] =	stream.indirect.scatter.add.f32 [tilespmem:s18], [sflag:$0x3], $0x80, s22, s16, $0xb8;
	[tilespmem:$0x1E400] =	vst v63  }
0x51: {  	_ =	swait.ge [sflag:s14], $0x4000  }
0x52: {  	[sflag:s14] =	ssyncset.done $0x0  }
0x53: {  	s24 =	simm.s32 $0x0;
	[sflag:s14] =	ssyncadd.s32 $0xFFFFC000  }
0x54: {  	[tilespmem:s24], [sflag:$0x3] =	stream.linear.gather [hbm4b:s9+s24], $0x1400, $0x38;
	[tilespmem:$0x1E400] =	vst v63  }
0x55: {  	_ =	swait.ge [sflag:s14], $0x1400  }
0x56: {  	[sflag:s14] =	ssyncset.done $0x0  }
0x57: {  	[sflag:s14] =	ssyncadd.s32 $0xFFFFEC00  }
0x58: {  	[tilespmem:s15], [sflag:$0x3] =	stream.linear.gather [hbm4b:s10+s24], $0x1400, $0x38;
	[tilespmem:$0x1E400] =	vst v63  }
0x59: {  	_ =	swait.ge [sflag:s14], $0x1400  }
0x5a: {  	[sflag:s14] =	ssyncset.done $0x0  }
0x5b: {  	[sflag:s14] =	ssyncadd.s32 $0xFFFFEC00  }
0x5c: {  	[tilespmem:s17], [sflag:$0x1] =	stream.indirect.gather [hbm4b:s2+s16], $0x80, s24, s16, $0xb8;
	[tilespmem:$0x1E400] =	vst v63  }
0x5d: {  	_ = 	snop  }
0x5e: {  	[tilespmem:s18], [sflag:$0x2] =	stream.indirect.gather [hbm4b:s2+s16], $0x80, s16, s16, $0xb8;
	[tilespmem:$0x1E400] =	vst v63  }
0x5f: {  	_ =	swait.ge [sflag:s19], $0x4000  }
0x60: {  	[sflag:s19] =	ssyncset.done $0x0  }
0x61: {  	s29 =	simm.s32 $0x1400;
	[sflag:s19] =	ssyncadd.s32 $0xFFFFC000  }
0x62: {  	[spmem:s3] =	stream.indirect.scatter.add.f32 [tilespmem:s17], [sflag:$0x3], $0x80, s29, s16, $0xb8;
	[tilespmem:$0x1E400] =	vst v63  }
0x63: {  	_ =	swait.ge [sflag:s14], $0x4000  }
0x64: {  	[sflag:s14] =	ssyncset.done $0x0  }
0x65: {  	s30 =	simm.s32 $0x100;
	[sflag:s14] =	ssyncadd.s32 $0xFFFFC000  }
0x66: {  	[tilespmem:s17], [sflag:$0x1] =	stream.indirect.gather [hbm4b:s2+s16], $0x80, s30, s16, $0xb8;
	[tilespmem:$0x1E400] =	vst v63  }
0x67: {  	_ =	swait.ge [sflag:s20], $0x4000  }
0x68: {  	[sflag:s20] =	ssyncset.done $0x0  }
0x69: {  	s31 =	simm.s32 $0x1480;
	[sflag:s20] =	ssyncadd.s32 $0xFFFFC000  }
0x6a: {  	[spmem:s3] =	stream.indirect.scatter.add.f32 [tilespmem:s18], [sflag:$0x3], $0x80, s31, s16, $0xb8;
	[tilespmem:$0x1E400] =	vst v63  }
0x6b: {  	_ =	swait.ge [sflag:s14], $0x4000  }
0x6c: {  	[sflag:s14] =	ssyncset.done $0x0  }
0x6d: {  	s25 =	simm.s32 $0x180;
	s24 =	simm.s32 $0x400;
	[sflag:s14] =	ssyncadd.s32 $0xFFFFC000  }
.LBB2_4:
0x6e: {  	[tilespmem:s18], [sflag:$0x2] =	stream.indirect.gather [hbm4b:s2+s16], $0x80, s25, s16, $0xb8;
	[tilespmem:$0x1E400] =	vst v63  }
0x6f: {  	s25 =	smov.u32 s24  }
0x70: {  	p0 =	sne.s32 s24, $0x4800;
	s24 =	sadd.s32 $0x400, s24;
	_ =	swait.ge [sflag:s19], $0x4000  }
0x71: {  	s25 =	sshra.s32 s25, $0x2;
	[sflag:s19] =	ssyncset.done $0x0  }
0x72: {  	s26 =	sadd.s32 $0x1400, s25;
	[sflag:s19] =	ssyncadd.s32 $0xFFFFC000  }
0x73: {  	[spmem:s3] =	stream.indirect.scatter.add.f32 [tilespmem:s17], [sflag:$0x3], $0x80, s26, s16, $0xb8;
	[tilespmem:$0x1E400] =	vst v63  }
0x74: {  	_ =	swait.ge [sflag:s14], $0x4000  }
0x75: {  	[sflag:s14] =	ssyncset.done $0x0  }
0x76: {  	s26 =	sadd.s32 $0x100, s25;
	[sflag:s14] =	ssyncadd.s32 $0xFFFFC000  }
0x77: {  	[tilespmem:s17], [sflag:$0x1] =	stream.indirect.gather [hbm4b:s2+s16], $0x80, s26, s16, $0xb8;
	[tilespmem:$0x1E400] =	vst v63  }
0x78: {  	_ =	swait.ge [sflag:s20], $0x4000  }
0x79: {  	[sflag:s20] =	ssyncset.done $0x0  }
.Ltmp1:
0x7a: {  	s26 =	sadd.s32 $0x1480, s25;
	[sflag:s20] =	ssyncadd.s32 $0xFFFFC000;
	(pc) =	sbr.rel @p0 .LBB2_4-.Ltmp1, $4  }
0x7b: {  	[spmem:s3] =	stream.indirect.scatter.add.f32 [tilespmem:s18], [sflag:$0x3], $0x80, s26, s16, $0xb8;
	[tilespmem:$0x1E400] =	vst v63  }
0x7c: {  	_ =	swait.ge [sflag:s14], $0x4000  }
0x7d: {  	[sflag:s14] =	ssyncset.done $0x0  }
0x7e: {  	s25 =	sadd.s32 $0x180, s25;
	[sflag:s14] =	ssyncadd.s32 $0xFFFFC000  }
0x7f: {  	[tilespmem:s18], [sflag:$0x2] =	stream.indirect.gather [hbm4b:s2+s16], $0x80, s25, s16, $0xb8;
	[tilespmem:$0x1E400] =	vst v63  }
0x80: {  	_ =	swait.ge [sflag:s19], $0x4000  }
0x81: {  	[sflag:s19] =	ssyncset.done $0x0  }
0x82: {  	[sflag:s19] =	ssyncadd.s32 $0xFFFFC000  }
0x83: {  	[spmem:s3] =	stream.indirect.scatter.add.f32 [tilespmem:s17], [sflag:$0x3], $0x80, s21, s16, $0xb8;
	[tilespmem:$0x1E400] =	vst v63  }
0x84: {  	_ =	swait.ge [sflag:s14], $0x4000  }
0x85: {  	[sflag:s14] =	ssyncset.done $0x0  }
0x86: {  	[sflag:s14] =	ssyncadd.s32 $0xFFFFC000  }
0x87: {  	_ =	swait.ge [sflag:s20], $0x4000  }
0x88: {  	[sflag:s20] =	ssyncset.done $0x0  }
0x89: {  	[sflag:s20] =	ssyncadd.s32 $0xFFFFC000  }
0x8a: {  	[spmem:s3] =	stream.indirect.scatter.add.f32 [tilespmem:s18], [sflag:$0x3], $0x80, s22, s16, $0xb8;
	[tilespmem:$0x1E400] =	vst v63  }
0x8b: {  	_ =	swait.ge [sflag:s14], $0x4000  }
0x8c: {  	s23 =	sadd.s32 $0x1, s23;
	[sflag:s14] =	ssyncset.done $0x0  }
0x8d: {  	p0 =	sne.s32 s23, s12;
	[sflag:s14] =	ssyncadd.s32 $0xFFFFC000  }
.Ltmp2:
0x8e: {  	[bflag:$0x0] =	sbarrier.arrive $0xFFFF;
	(pc) =	sbr.rel @p0 .LBB2_1-.Ltmp2, $4  }
0x8f: {  	[hbm:s11], [sflag:s6] =	dma.local [spmem:s13], $0x2780  }
0x90: {  	_ =	swait.ge [sflag:s14], $0x2780  }
0x91: {  	[sflag:s14] =	ssyncset.done $0x0  }
0x92: {  	[sflag:s14] =	ssyncadd.s32 $0xFFFFD880  }
0x93: {  	_ =	sfence.sel $0x180000  }
0x94: {  	[bflag:$0x0] =	sbarrier.arrive $0xFFFF  }
0x95: {  	p0 =	sne.s32 s1, $0x0;
	_ =	strace $0x90000047  }
0x96: {  	s0 =	sadd.s32 @!p0 $0x100000, s0;
	[bflag:$0x2] =	sbarrier.arrive $0xFFFF  }
0x97: {  	[sflag:s0] =	ssyncadd.tile.s32 @!p0 $0x1;
	_ =	shalt  }
.Lfunc_end2:
_tile_overlayer_lowered:
.L_overlay_start_2:
0x98: {  	(tag) =	ssettag $0x2  }
0x99: {  	s0 =	rddreg [dreg:$0x0];
	s2 =	stileid.u32  }
0x9a: {  	s1 =	rddreg [dreg:$0x1];
	p0 =	sne.s32 s2, $0x0  }
0x9b: {  	s3 =	rddreg [dreg:$0x2];
	[bflag:$0x3] =	sbarrier.arrive $0xFFFF;
	s2 =	simm.s32 @!p0 $0x1C03  }
0x9c: {  	[timem:s3], [sflag:s2] =	dma.local @!p0 [hbm:s0], s1  }
0x9d: {  	s0 =	simm.s32 @!p0 $0x3  }
0x9e: {  	_ =	swait.ge @!p0 [sflag:s0], s1  }
0x9f: {  	s1 =	ssub.s32 @!p0 $0x0, s1;
	[sflag:s0] =	ssyncset.done @!p0 $0x0  }
0xa0: {  	[sflag:s0] =	ssyncadd.s32 @!p0 s1  }
0xa1: {  	[bflag:$0x3] =	sbarrier.arrive $0xFFFF  }
0xa2: {  	_ =	shalt  }

// kernel: kernel.9.cloned.1.call-start
scs
__scs_entry_jumppad:
0x0: {  	(pc) =	sbr.rel $0x88, $3  }
0x1: {  	(tag) =	ssettag $0x0;
	lr =	simm.s32 $0x1  }
0x2: {  	[smem:$0x3F97] =	sst lr;
	_ =	strace $0xD0000000  }
0x3: {  	_ = 	snop  }
0x4: {  	_ = 	snop  }
0x5: {  	_ = 	snop  }
0x6: {  	_ = 	snop  }
0x7: {  	_ = 	snop  }
__scs_overlays_trampoline_lowered:
0x8: {  	[smem:$0x3FA6] =	sst s0  }
0x9: {  	[smem:$0x3FA7] =	sst s1  }
0xa: {  	[smem:$0x3FA8] =	sst s2  }
0xb: {  	[smem:$0x3FA9] =	sst s3  }
0xc: {  	[smem:$0x3FAA] =	sst s4  }
0xd: {  	[smem:$0x3FAB] =	sst s5  }
0xe: {  	[smem:$0x3FAC] =	sst s6  }
0xf: {  	[smem:$0x3FAD] =	sst s7  }
0x10: {  	[smem:$0x3FAE] =	sst s8  }
0x11: {  	[smem:$0x3FAF] =	sst s9;
	s0 =	simm.s32 @!p0 $0x0  }
0x12: {  	s1 =	sld [smem:$0x3F95];
	s0 =	simm.s32 @p0 $0x1  }
0x13: {  	[smem:$0x3FB0] =	sst s0;
	s0 =	simm.s32 @!p1 $0x0  }
0x14: {  	s2 =	sld [smem:$0x3F94];
	s0 =	simm.s32 @p1 $0x1  }
0x15: {  	[smem:$0x3FB1] =	sst s0;
	s0 =	simm.s32 @!p2 $0x0  }
0x16: {  	s3 =	sld [smem:$0x3FDB];
	s0 =	simm.s32 @p2 $0x1  }
0x17: {  	s4 =	simm.s32 $0x1BF5;
	[smem:$0x3FB3] =	sst s0  }
0x18: {  	s0 =	sld [smem:$0x3F96];
	_ =	swait.ge [sflag:s4], $0x0  }
0x19: {  	s7 =	sld [smem:$0x3F97]  }
0x1a: {  	s8 =	sadd.s32 $0xFFFFE003, lr  }
0x1b: {  	s9 =	sadd.s32 $0xFFFFFEF7, lr;
	s5 =	simm.s32 $0xFFFFFFFF;
	p2 =	slt.u32 s8, $0xFFFFF086  }
0x1c: {  	p1 =	slt.u32 s9, $0xF7A;
	s5 =	simm.s32 @!p2 $0x0  }
0x1d: {  	s5 =	simm.s32 @p1 $0x1;
	p0 =	seq.s32 s7, s2  }
0x1e: {  	s7 =	smul.u32 @!p0 $0xF7A, s2;
	p2 =	seq.s32 @!p0 s5, $0x0  }
0x1f: {  	s9 =	smul.u32 $0xF7A, s1;
	s8 =	simm.s32 @!p0 $0x1BF5;
	p2 =	por !p2, p0  }
0x20: {  	[sflag:s8] =	ssyncset.s32 @!p0 $0xFFFFF086;
	s6 =	sadd.s32 @!p0 s3, s7;
	s7 =	simm.s32 @!p0 $0x108  }
0x21: {  	s3 =	sadd.s32 s3, s9;
	s6 =	sadd.s32 @!p0 $0x88, s6;
	s7 =	simm.s32 @p2 $0x1082  }
0x22: {  	[simem:s7], [sflag:s8] =	dma.local @!p0 [hbm:s6], $0xF7A  }
0x23: {  	s9 =	sor.u32 $0xD0000000, s2;
	s6 =	simm.s32 $0x108;
	_ =	swait.ge @!p0 [sflag:s8], $0x0  }
0x24: {  	s3 =	sadd.s32 $0x88, s3;
	s6 =	simm.s32 @!p1 $0x1082;
	[sflag:s4] =	ssyncset.s32 $0xFFFFF086  }
0x25: {  	[simem:s6], [sflag:s4] =	dma.local [hbm:s3], $0xF7A  }
0x26: {  	[smem:$0x3F97] =	sst s1;
	(tag) =	ssettag s2;
	_ =	strace s9  }
0x27: {  	s1 =	sld [smem:$0x3FA7]  }
0x28: {  	s2 =	sld [smem:$0x3FA8]  }
0x29: {  	s4 =	sld [smem:$0x3FAA]  }
0x2a: {  	p0 =	seq.s32 s5, $0x0;
	s5 =	sld [smem:$0x3FAB]  }
0x2b: {  	s6 =	sld [smem:$0x3FAC]  }
0x2c: {  	s7 =	sld [smem:$0x3FAD]  }
0x2d: {  	s3 =	simm.s32 $0x108;
	s8 =	sld [smem:$0x3FAE]  }
0x2e: {  	s3 =	simm.s32 @!p0 $0x1082;
	s9 =	sld [smem:$0x3FAF]  }
0x2f: {  	lr =	sadd.s32 s0, s3;
	s0 =	sld [smem:$0x3FA6]  }
0x30: {  	s3 =	sld [smem:$0x3FA9]  }
0x31: {  	[smem:$0x3FB2] =	sst s10  }
0x32: {  	s10 =	sld [smem:$0x3FB0];
	_ =	sdelay $0x3  }
0x33: {  	p0 =	seq.s32 s10, $0x1;
	s10 =	sld [smem:$0x3FB2];
	_ =	sdelay $0x3  }
0x34: {  	[smem:$0x3FB2] =	sst s10  }
0x35: {  	s10 =	sld [smem:$0x3FB1];
	_ =	sdelay $0x3  }
0x36: {  	p1 =	seq.s32 s10, $0x1;
	s10 =	sld [smem:$0x3FB2];
	_ =	sdelay $0x3  }
0x37: {  	[smem:$0x3FB2] =	sst s10  }
0x38: {  	s10 =	sld [smem:$0x3FB3]  }
0x39: {  	_ = 	snop;
	(pc) =	sbr.ind lr, $3  }
0x3a: {  	_ = 	snop  }
0x3b: {  	_ = 	snop  }
0x3c: {  	p2 =	seq.s32 s10, $0x1;
	s10 =	sld [smem:$0x3FB2]  }
0x3d: {  	_ =	shalt  }
0x3e: {  	_ =	shalt  }
0x3f: {  	_ =	shalt  }
0x40: {  	_ =	shalt  }
0x41: {  	_ =	shalt  }
0x42: {  	_ =	shalt  }
0x43: {  	_ =	shalt  }
0x44: {  	_ =	shalt  }
0x45: {  	_ =	shalt  }
0x46: {  	_ =	shalt  }
0x47: {  	_ =	shalt  }
0x48: {  	_ =	shalt  }
0x49: {  	_ =	shalt  }
0x4a: {  	_ =	shalt  }
0x4b: {  	_ =	shalt  }
0x4c: {  	_ =	shalt  }
0x4d: {  	_ =	shalt  }
0x4e: {  	_ =	shalt  }
0x4f: {  	_ =	shalt  }
0x50: {  	_ =	shalt  }
0x51: {  	_ =	shalt  }
0x52: {  	_ =	shalt  }
0x53: {  	_ =	shalt  }
0x54: {  	_ =	shalt  }
0x55: {  	_ =	shalt  }
0x56: {  	_ =	shalt  }
0x57: {  	_ =	shalt  }
0x58: {  	_ =	shalt  }
0x59: {  	_ =	shalt  }
0x5a: {  	_ =	shalt  }
0x5b: {  	_ =	shalt  }
0x5c: {  	_ =	shalt  }
0x5d: {  	_ =	shalt  }
0x5e: {  	_ =	shalt  }
0x5f: {  	_ =	shalt  }
0x60: {  	_ =	shalt  }
0x61: {  	_ =	shalt  }
0x62: {  	_ =	shalt  }
0x63: {  	_ =	shalt  }
0x64: {  	_ =	shalt  }
0x65: {  	_ =	shalt  }
0x66: {  	_ =	shalt  }
0x67: {  	_ =	shalt  }
0x68: {  	_ =	shalt  }
0x69: {  	_ =	shalt  }
0x6a: {  	_ =	shalt  }
0x6b: {  	_ =	shalt  }
0x6c: {  	_ =	shalt  }
0x6d: {  	_ =	shalt  }
0x6e: {  	_ =	shalt  }
0x6f: {  	_ =	shalt  }
0x70: {  	_ =	shalt  }
0x71: {  	_ =	shalt  }
0x72: {  	_ =	shalt  }
0x73: {  	_ =	shalt  }
0x74: {  	_ =	shalt  }
0x75: {  	_ =	shalt  }
0x76: {  	_ =	shalt  }
0x77: {  	_ =	shalt  }
0x78: {  	_ =	shalt  }
0x79: {  	_ =	shalt  }
0x7a: {  	_ =	shalt  }
0x7b: {  	_ =	shalt  }
0x7c: {  	_ =	shalt  }
0x7d: {  	_ =	shalt  }
0x7e: {  	_ =	shalt  }
0x7f: {  	_ =	shalt  }
0x80: {  	_ =	shalt  }
0x81: {  	_ =	shalt  }
0x82: {  	_ =	shalt  }
0x83: {  	_ =	shalt  }
0x84: {  	_ =	shalt  }
0x85: {  	_ =	shalt  }
0x86: {  	_ =	shalt  }
0x87: {  	_ =	shalt  }
.Lfunc_end0:
.L_simem_size_0:
called_computation.1_lowered:
.L_overlay_start_0:
0x88: {  	s2 =	sld [smem:$0x3FD9]  }
0x89: {  	s3 =	sld [smem:$0x3FFE];
	_ =	sdelay $0x1  }
0x8a: {  	s1 =	srdreg.scid  }
0x8b: {  	s0 =	sand.u32 $0x1, s1  }
0x8c: {  	s17 =	sshll.u32 s0, $0xA;
	s2 =	sadd.s32 s3, s2  }
0x8d: {  	s2 =	sadd.s32 s2, s17  }
0x8e: {  	[smem:$0x3FBE] =	sst s2  }
0x8f: {  	_ = 	snop  }
0x90: {  	s2 =	sld [smem:$0x3FD0];
	(tm) =	ssettm $0x1  }
0x91: {  	s18 =	sld [smem:$0x3FFB];
	_ =	sdelay $0x3  }
0x92: {  	_ =	strace s18  }
0x93: {  	s3 =	sld [smem:$0x3FFC];
	_ =	sdelay $0x3  }
0x94: {  	_ =	strace s3  }
0x95: {  	s3 =	sld [smem:$0x3FFD];
	_ =	sdelay $0x3  }
0x96: {  	_ =	strace s3  }
0x97: {  	_ =	strace $0x8FFFFFFF  }
0x98: {  	s19 =	sld [smem:$0x3FDB];
	_ =	sdelay $0x1  }
0x99: {  	s4 =	simm.s32 $_scs_section_size  }
0x9a: {  	s5 =	simm.s32 $_size__tile_overlayer_lowered;
	s6 =	simm.s32 $_tile_overlayer_lowered  }
0x9b: {  	s22 =	simm.s32 $0x1BFF;
	s21 =	sshll.u32 s6, $0x1;
	s3 =	sadd.s32 s4, s19  }
0x9c: {  	s7 =	simm.s32 $0x0;
	s20 =	sshll.u32 s5, $0x1;
	s5 =	sadd.s32 s21, s3  }
0x9d: {  	[timem:s7], [sflag:s22] =	dma.local [hbm:s5], s20  }
0x9e: {  	_ =	swait.ge [sflag:s22], s20  }
0x9f: {  	s4 =	ssub.s32 $0x0, s20;
	[sflag:s22] =	ssyncset.done $0x0  }
0xa0: {  	[sflag:s22] =	ssyncadd.s32 s4;
	_ =	sdelay $0x1  }
0xa1: {  	s23 =	simm.s32 $0x1B8B  }
0xa2: {  	_ =	swait.ge [sflag:s23], $0x1  }
0xa3: {  	[sflag:s23] =	ssyncset.done $0x0  }
0xa4: {  	s25 =	simm.s32 $0x1B8E;
	s24 =	sld [smem:$0x3FFE];
	[sflag:s23] =	ssyncadd.s32 $0xFFFFFFFF  }
0xa5: {  	s26 =	simm.s32 $execute0_lowered;
	[smem:$0x3FD2] =	sst s25  }
0xa6: {  	s5 =	sshll.u32 s26, $0x1;
	_ =	strace $0x80000049;
	[dreg:$0x1] =	wrdreg $0xFFFFFFFF  }
0xa7: {  	s28 =	simm.s32 $_size_execute0_lowered;
	s3 =	sadd.s32 s3, s5;
	[dreg:$0x0] =	wrdreg $0x0  }
0xa8: {  	s5 =	sshll.u32 s28, $0x1;
	[dreg:$0x2] =	wrdreg s3  }
0xa9: {  	[dreg:$0x3] =	wrdreg s5  }
0xaa: {  	[dreg:$0x4] =	wrdreg $0xC0  }
0xab: {  	_ =	task [dreg:s7], $0x5FFFF  }
0xac: {  	[dreg:$0x1] =	wrdreg $0xFFFFFFFF  }
0xad: {  	[dreg:$0x0] =	wrdreg $0x60  }
0xae: {  	[dreg:$0x2] =	wrdreg s2  }
0xaf: {  	[dreg:$0x3] =	wrdreg s24  }
0xb0: {  	[dreg:$0x4] =	wrdreg $0xA8000  }
0xb1: {  	[dreg:$0x5] =	wrdreg $0x9  }
0xb2: {  	_ =	task.clear_ibuf [dreg:s7], $0x6FFFF;
	_ =	strace $0x90000049  }
0xb3: {  	s29 =	simm.s32 $0x9;
	_ =	strace $0x8000004B  }
0xb4: {  	_ =	swait.ge [sflag:s29], $0x1  }
0xb5: {  	[sflag:s29] =	ssyncadd.s32 $0xFFFFFFFF  }
0xb6: {  	_ =	strace $0x9000004B  }
0xb7: {  	_ =	sfence  }
0xb8: {  	s30 =	sld [smem:$0x0];
	_ =	sdelay $0x2  }
0xb9: {  	s31 =	sshll.u32 s1, $0xD;
	s1 =	sshrl.u32 s1, $0x2  }
0xba: {  	s3 =	sand.u32 $0x4000, s31;
	s1 =	sadd.s32 s1, s30  }
0xbb: {  	s0 =	sor.u32 s3, s0;
	s1 =	sshll.u32 s1, $0x11  }
0xbc: {  	s0 =	sor.u32 s1, s0  }
0xbd: {  	s0 =	sadd.s32 $0x8F2B, s0  }
0xbe: {  	[sflag:s0] =	ssyncadd.remote.s32 $0x1  }
0xbf: {  	_ =	sfence.sel $0xFFFF  }
0xc0: {  	[dreg:$0x0] =	wrdreg $0xFFFFFFFF;
	(pc) =	sbr.abs _section_cstart, $3  }
0xc1: {  	[dreg:$0x1] =	wrdreg $0xFFFFFFFF  }
0xc2: {  	_ =	task.clear_ibuf [dreg:s7], $0x2FFFF;
	_ =	strace $0x9FFFFFFF  }
0xc3: {  	(tm) =	ssettm $0x7FFFFFFF  }
tec
execute0_lowered:
.L_overlay_start_1:
0x0: {  	(tag) =	ssettag $0x1  }
0x1: {  	s2 =	rddreg [dreg:$0x0]  }
0x2: {  	s5 =	rddreg [dreg:$0x1]  }
0x3: {  	s3 =	rddreg [dreg:$0x2]  }
0x4: {  	s0 =	rddreg [dreg:$0x3]  }
0x5: {  	s1 =	stileid.u32;
	s6 =	srdreg.scid  }
0x6: {  	s4 =	simm.s32 $0x0;
	s16 =	simm.s32 $0x80;
	s17 =	simm.s32 $0x2800  }
0x7: {  	s18 =	simm.s32 $0x6800;
	s19 =	simm.s32 $0x1;
	s20 =	simm.s32 $0x2  }
0x8: {  	s21 =	simm.s32 $0x2700;
	s22 =	simm.s32 $0x2780;
	s7 =	smul.u32 $0x13C00, s1  }
0x9: {  	s6 =	sand.u32 $0x1, s6;
	[smem:$0x7FF] =	sst s4;
	s9 =	sadd.s32 $0x2200, s5  }
0xa: {  	s11 =	sadd.s32 $0xC200, s5;
	s12 =	smul.u32 $0x4F000, s1;
	s29 =	sshll.u32 s1, $0x6  }
0xb: {  	s8 =	smul.u32 $0x13C000, s6;
	_ =	strace $0x8000004A;
	s24 =	ssub.s32 $0x2, s6  }
0xc: {  	s6 =	sshll.u32 s6, $0x4;
	s10 =	sshrl.u32 s7, $0x3;
	s25 =	sshrl.u32 s24, $0x1  }
0xd: {  	s6 =	sor.u32 s1, s6;
	s26 =	sshrl.u32 s12, $0x2;
	s7 =	sadd.s32 s7, s8  }
0xe: {  	s23 =	sadd.s32 s10, s5;
	s14 =	ssub.s32 s24, s25;
	s28 =	smul.u32 $0x2800, s6  }
0xf: {  	s15 =	sadd.s32 s26, s3;
	s30 =	smul.u32 $0x500, s6;
	s6 =	sor.u32 $0x1C03, s29  }
0x10: {  	s7 =	sshrl.u32 s7, $0x3;
	s12 =	smax.u32 s14, $0x1;
	s14 =	simm.s32 $0x3  }
0x11: {  	s13 =	sadd.s32 s7, s5;
	s5 =	sadd.s32 $0x16200, s23;
	s31 =	sshrl.u32 s28, $0x3  }
0x12: {  	s7 =	sadd.s32 s9, s30;
	s8 =	sadd.s32 s11, s30;
	s10 =	sadd.s32 $0x280, s31  }
0x13: {  	s23 =	simm.s32 $0x0;
	s9 =	sadd.s32 s9, s10;
	s10 =	sadd.s32 s11, s10  }
0x14: {  	s11 =	sadd.s32 $0x3DA00, s13;
	s13 =	sshrl.u32 s15, $0x3;
	s15 =	simm.s32 $0x1400  }
.LBB2_1:
0x15: {  	[spmem:s13], [sflag:s6] =	dma.local [hbm:s5], $0x2780  }
0x16: {  	_ =	swait.ge [sflag:s14], $0x2780  }
0x17: {  	[sflag:s14] =	ssyncset.done $0x0  }
0x18: {  	[sflag:s14] =	ssyncadd.s32 $0xFFFFD880  }
0x19: {  	[bflag:$0x0] =	sbarrier.arrive $0xFFFF  }
0x1a: {  	[tilespmem:s4], [sflag:$0x3] =	stream.linear.gather [hbm4b:s7+s4], $0x1400, $0x38;
	[tilespmem:$0x1E400] =	vst v63  }
0x1b: {  	_ =	swait.ge [sflag:s14], $0x1400  }
0x1c: {  	[sflag:s14] =	ssyncset.done $0x0  }
0x1d: {  	[sflag:s14] =	ssyncadd.s32 $0xFFFFEC00  }
0x1e: {  	[tilespmem:s15], [sflag:$0x3] =	stream.linear.gather [hbm4b:s8+s4], $0x1400, $0x38;
	[tilespmem:$0x1E400] =	vst v63  }
0x1f: {  	_ =	swait.ge [sflag:s14], $0x1400  }
0x20: {  	[sflag:s14] =	ssyncset.done $0x0  }
0x21: {  	[sflag:s14] =	ssyncadd.s32 $0xFFFFEC00  }
0x22: {  	[tilespmem:s17], [sflag:$0x1] =	stream.indirect.gather [hbm4b:s2+s16], $0x80, s4, s16, $0xb8;
	[tilespmem:$0x1E400] =	vst v63  }
0x23: {  	_ = 	snop  }
0x24: {  	[tilespmem:s18], [sflag:$0x2] =	stream.indirect.gather [hbm4b:s2+s16], $0x80, s16, s16, $0xb8;
	[tilespmem:$0x1E400] =	vst v63  }
0x25: {  	_ =	swait.ge [sflag:s19], $0x4000  }
0x26: {  	[sflag:s19] =	ssyncset.done $0x0  }
0x27: {  	s24 =	simm.s32 $0x1400;
	[sflag:s19] =	ssyncadd.s32 $0xFFFFC000  }
0x28: {  	[spmem:s3] =	stream.indirect.scatter.add.f32 [tilespmem:s17], [sflag:$0x3], $0x80, s24, s16, $0xb8;
	[tilespmem:$0x1E400] =	vst v63  }
0x29: {  	_ =	swait.ge [sflag:s14], $0x4000  }
0x2a: {  	[sflag:s14] =	ssyncset.done $0x0  }
0x2b: {  	s30 =	simm.s32 $0x100;
	[sflag:s14] =	ssyncadd.s32 $0xFFFFC000  }
0x2c: {  	[tilespmem:s17], [sflag:$0x1] =	stream.indirect.gather [hbm4b:s2+s16], $0x80, s30, s16, $0xb8;
	[tilespmem:$0x1E400] =	vst v63  }
0x2d: {  	_ =	swait.ge [sflag:s20], $0x4000  }
0x2e: {  	[sflag:s20] =	ssyncset.done $0x0  }
0x2f: {  	s31 =	simm.s32 $0x1480;
	[sflag:s20] =	ssyncadd.s32 $0xFFFFC000  }
0x30: {  	[spmem:s3] =	stream.indirect.scatter.add.f32 [tilespmem:s18], [sflag:$0x3], $0x80, s31, s16, $0xb8;
	[tilespmem:$0x1E400] =	vst v63  }
0x31: {  	_ =	swait.ge [sflag:s14], $0x4000  }
0x32: {  	[sflag:s14] =	ssyncset.done $0x0  }
0x33: {  	s25 =	simm.s32 $0x180;
	s24 =	simm.s32 $0x400;
	[sflag:s14] =	ssyncadd.s32 $0xFFFFC000  }
.LBB2_2:
0x34: {  	[tilespmem:s18], [sflag:$0x2] =	stream.indirect.gather [hbm4b:s2+s16], $0x80, s25, s16, $0xb8;
	[tilespmem:$0x1E400] =	vst v63  }
0x35: {  	s25 =	smov.u32 s24  }
0x36: {  	p0 =	sne.s32 s24, $0x4800;
	s24 =	sadd.s32 $0x400, s24;
	_ =	swait.ge [sflag:s19], $0x4000  }
0x37: {  	s25 =	sshra.s32 s25, $0x2;
	[sflag:s19] =	ssyncset.done $0x0  }
0x38: {  	s26 =	sadd.s32 $0x1400, s25;
	[sflag:s19] =	ssyncadd.s32 $0xFFFFC000  }
0x39: {  	[spmem:s3] =	stream.indirect.scatter.add.f32 [tilespmem:s17], [sflag:$0x3], $0x80, s26, s16, $0xb8;
	[tilespmem:$0x1E400] =	vst v63  }
0x3a: {  	_ =	swait.ge [sflag:s14], $0x4000  }
0x3b: {  	[sflag:s14] =	ssyncset.done $0x0  }
0x3c: {  	s26 =	sadd.s32 $0x100, s25;
	[sflag:s14] =	ssyncadd.s32 $0xFFFFC000  }
0x3d: {  	[tilespmem:s17], [sflag:$0x1] =	stream.indirect.gather [hbm4b:s2+s16], $0x80, s26, s16, $0xb8;
	[tilespmem:$0x1E400] =	vst v63  }
0x3e: {  	_ =	swait.ge [sflag:s20], $0x4000  }
0x3f: {  	[sflag:s20] =	ssyncset.done $0x0  }
.Ltmp0:
0x40: {  	s26 =	sadd.s32 $0x1480, s25;
	[sflag:s20] =	ssyncadd.s32 $0xFFFFC000;
	(pc) =	sbr.rel @p0 .LBB2_2-.Ltmp0, $4  }
0x41: {  	[spmem:s3] =	stream.indirect.scatter.add.f32 [tilespmem:s18], [sflag:$0x3], $0x80, s26, s16, $0xb8;
	[tilespmem:$0x1E400] =	vst v63  }
0x42: {  	_ =	swait.ge [sflag:s14], $0x4000  }
0x43: {  	[sflag:s14] =	ssyncset.done $0x0  }
0x44: {  	s25 =	sadd.s32 $0x180, s25;
	[sflag:s14] =	ssyncadd.s32 $0xFFFFC000  }
0x45: {  	[tilespmem:s18], [sflag:$0x2] =	stream.indirect.gather [hbm4b:s2+s16], $0x80, s25, s16, $0xb8;
	[tilespmem:$0x1E400] =	vst v63  }
0x46: {  	_ =	swait.ge [sflag:s19], $0x4000  }
0x47: {  	[sflag:s19] =	ssyncset.done $0x0  }
0x48: {  	[sflag:s19] =	ssyncadd.s32 $0xFFFFC000  }
0x49: {  	[spmem:s3] =	stream.indirect.scatter.add.f32 [tilespmem:s17], [sflag:$0x3], $0x80, s21, s16, $0xb8;
	[tilespmem:$0x1E400] =	vst v63  }
0x4a: {  	_ =	swait.ge [sflag:s14], $0x4000  }
0x4b: {  	[sflag:s14] =	ssyncset.done $0x0  }
0x4c: {  	[sflag:s14] =	ssyncadd.s32 $0xFFFFC000  }
0x4d: {  	_ =	swait.ge [sflag:s20], $0x4000  }
0x4e: {  	[sflag:s20] =	ssyncset.done $0x0  }
0x4f: {  	[sflag:s20] =	ssyncadd.s32 $0xFFFFC000  }
0x50: {  	[spmem:s3] =	stream.indirect.scatter.add.f32 [tilespmem:s18], [sflag:$0x3], $0x80, s22, s16, $0xb8;
	[tilespmem:$0x1E400] =	vst v63  }
0x51: {  	_ =	swait.ge [sflag:s14], $0x4000  }
0x52: {  	[sflag:s14] =	ssyncset.done $0x0  }
0x53: {  	s24 =	simm.s32 $0x0;
	[sflag:s14] =	ssyncadd.s32 $0xFFFFC000  }
0x54: {  	[tilespmem:s24], [sflag:$0x3] =	stream.linear.gather [hbm4b:s9+s24], $0x1400, $0x38;
	[tilespmem:$0x1E400] =	vst v63  }
0x55: {  	_ =	swait.ge [sflag:s14], $0x1400  }
0x56: {  	[sflag:s14] =	ssyncset.done $0x0  }
0x57: {  	[sflag:s14] =	ssyncadd.s32 $0xFFFFEC00  }
0x58: {  	[tilespmem:s15], [sflag:$0x3] =	stream.linear.gather [hbm4b:s10+s24], $0x1400, $0x38;
	[tilespmem:$0x1E400] =	vst v63  }
0x59: {  	_ =	swait.ge [sflag:s14], $0x1400  }
0x5a: {  	[sflag:s14] =	ssyncset.done $0x0  }
0x5b: {  	[sflag:s14] =	ssyncadd.s32 $0xFFFFEC00  }
0x5c: {  	[tilespmem:s17], [sflag:$0x1] =	stream.indirect.gather [hbm4b:s2+s16], $0x80, s24, s16, $0xb8;
	[tilespmem:$0x1E400] =	vst v63  }
0x5d: {  	_ = 	snop  }
0x5e: {  	[tilespmem:s18], [sflag:$0x2] =	stream.indirect.gather [hbm4b:s2+s16], $0x80, s16, s16, $0xb8;
	[tilespmem:$0x1E400] =	vst v63  }
0x5f: {  	_ =	swait.ge [sflag:s19], $0x4000  }
0x60: {  	[sflag:s19] =	ssyncset.done $0x0  }
0x61: {  	s29 =	simm.s32 $0x1400;
	[sflag:s19] =	ssyncadd.s32 $0xFFFFC000  }
0x62: {  	[spmem:s3] =	stream.indirect.scatter.add.f32 [tilespmem:s17], [sflag:$0x3], $0x80, s29, s16, $0xb8;
	[tilespmem:$0x1E400] =	vst v63  }
0x63: {  	_ =	swait.ge [sflag:s14], $0x4000  }
0x64: {  	[sflag:s14] =	ssyncset.done $0x0  }
0x65: {  	s30 =	simm.s32 $0x100;
	[sflag:s14] =	ssyncadd.s32 $0xFFFFC000  }
0x66: {  	[tilespmem:s17], [sflag:$0x1] =	stream.indirect.gather [hbm4b:s2+s16], $0x80, s30, s16, $0xb8;
	[tilespmem:$0x1E400] =	vst v63  }
0x67: {  	_ =	swait.ge [sflag:s20], $0x4000  }
0x68: {  	[sflag:s20] =	ssyncset.done $0x0  }
0x69: {  	s31 =	simm.s32 $0x1480;
	[sflag:s20] =	ssyncadd.s32 $0xFFFFC000  }
0x6a: {  	[spmem:s3] =	stream.indirect.scatter.add.f32 [tilespmem:s18], [sflag:$0x3], $0x80, s31, s16, $0xb8;
	[tilespmem:$0x1E400] =	vst v63  }
0x6b: {  	_ =	swait.ge [sflag:s14], $0x4000  }
0x6c: {  	[sflag:s14] =	ssyncset.done $0x0  }
0x6d: {  	s25 =	simm.s32 $0x180;
	s24 =	simm.s32 $0x400;
	[sflag:s14] =	ssyncadd.s32 $0xFFFFC000  }
.LBB2_4:
0x6e: {  	[tilespmem:s18], [sflag:$0x2] =	stream.indirect.gather [hbm4b:s2+s16], $0x80, s25, s16, $0xb8;
	[tilespmem:$0x1E400] =	vst v63  }
0x6f: {  	s25 =	smov.u32 s24  }
0x70: {  	p0 =	sne.s32 s24, $0x4800;
	s24 =	sadd.s32 $0x400, s24;
	_ =	swait.ge [sflag:s19], $0x4000  }
0x71: {  	s25 =	sshra.s32 s25, $0x2;
	[sflag:s19] =	ssyncset.done $0x0  }
0x72: {  	s26 =	sadd.s32 $0x1400, s25;
	[sflag:s19] =	ssyncadd.s32 $0xFFFFC000  }
0x73: {  	[spmem:s3] =	stream.indirect.scatter.add.f32 [tilespmem:s17], [sflag:$0x3], $0x80, s26, s16, $0xb8;
	[tilespmem:$0x1E400] =	vst v63  }
0x74: {  	_ =	swait.ge [sflag:s14], $0x4000  }
0x75: {  	[sflag:s14] =	ssyncset.done $0x0  }
0x76: {  	s26 =	sadd.s32 $0x100, s25;
	[sflag:s14] =	ssyncadd.s32 $0xFFFFC000  }
0x77: {  	[tilespmem:s17], [sflag:$0x1] =	stream.indirect.gather [hbm4b:s2+s16], $0x80, s26, s16, $0xb8;
	[tilespmem:$0x1E400] =	vst v63  }
0x78: {  	_ =	swait.ge [sflag:s20], $0x4000  }
0x79: {  	[sflag:s20] =	ssyncset.done $0x0  }
.Ltmp1:
0x7a: {  	s26 =	sadd.s32 $0x1480, s25;
	[sflag:s20] =	ssyncadd.s32 $0xFFFFC000;
	(pc) =	sbr.rel @p0 .LBB2_4-.Ltmp1, $4  }
0x7b: {  	[spmem:s3] =	stream.indirect.scatter.add.f32 [tilespmem:s18], [sflag:$0x3], $0x80, s26, s16, $0xb8;
	[tilespmem:$0x1E400] =	vst v63  }
0x7c: {  	_ =	swait.ge [sflag:s14], $0x4000  }
0x7d: {  	[sflag:s14] =	ssyncset.done $0x0  }
0x7e: {  	s25 =	sadd.s32 $0x180, s25;
	[sflag:s14] =	ssyncadd.s32 $0xFFFFC000  }
0x7f: {  	[tilespmem:s18], [sflag:$0x2] =	stream.indirect.gather [hbm4b:s2+s16], $0x80, s25, s16, $0xb8;
	[tilespmem:$0x1E400] =	vst v63  }
0x80: {  	_ =	swait.ge [sflag:s19], $0x4000  }
0x81: {  	[sflag:s19] =	ssyncset.done $0x0  }
0x82: {  	[sflag:s19] =	ssyncadd.s32 $0xFFFFC000  }
0x83: {  	[spmem:s3] =	stream.indirect.scatter.add.f32 [tilespmem:s17], [sflag:$0x3], $0x80, s21, s16, $0xb8;
	[tilespmem:$0x1E400] =	vst v63  }
0x84: {  	_ =	swait.ge [sflag:s14], $0x4000  }
0x85: {  	[sflag:s14] =	ssyncset.done $0x0  }
0x86: {  	[sflag:s14] =	ssyncadd.s32 $0xFFFFC000  }
0x87: {  	_ =	swait.ge [sflag:s20], $0x4000  }
0x88: {  	[sflag:s20] =	ssyncset.done $0x0  }
0x89: {  	[sflag:s20] =	ssyncadd.s32 $0xFFFFC000  }
0x8a: {  	[spmem:s3] =	stream.indirect.scatter.add.f32 [tilespmem:s18], [sflag:$0x3], $0x80, s22, s16, $0xb8;
	[tilespmem:$0x1E400] =	vst v63  }
0x8b: {  	_ =	swait.ge [sflag:s14], $0x4000  }
0x8c: {  	s23 =	sadd.s32 $0x1, s23;
	[sflag:s14] =	ssyncset.done $0x0  }
0x8d: {  	p0 =	sne.s32 s23, s12;
	[sflag:s14] =	ssyncadd.s32 $0xFFFFC000  }
.Ltmp2:
0x8e: {  	[bflag:$0x0] =	sbarrier.arrive $0xFFFF;
	(pc) =	sbr.rel @p0 .LBB2_1-.Ltmp2, $4  }
0x8f: {  	[hbm:s11], [sflag:s6] =	dma.local [spmem:s13], $0x2780  }
0x90: {  	_ =	swait.ge [sflag:s14], $0x2780  }
0x91: {  	[sflag:s14] =	ssyncset.done $0x0  }
0x92: {  	[sflag:s14] =	ssyncadd.s32 $0xFFFFD880  }
0x93: {  	_ =	sfence.sel $0x180000  }
0x94: {  	[bflag:$0x0] =	sbarrier.arrive $0xFFFF  }
0x95: {  	p0 =	sne.s32 s1, $0x0;
	_ =	strace $0x9000004A  }
0x96: {  	s0 =	sadd.s32 @!p0 $0x100000, s0;
	[bflag:$0x2] =	sbarrier.arrive $0xFFFF  }
0x97: {  	[sflag:s0] =	ssyncadd.tile.s32 @!p0 $0x1;
	_ =	shalt  }
.Lfunc_end2:
_tile_overlayer_lowered:
.L_overlay_start_2:
0x98: {  	(tag) =	ssettag $0x2  }
0x99: {  	s0 =	rddreg [dreg:$0x0];
	s2 =	stileid.u32  }
0x9a: {  	s1 =	rddreg [dreg:$0x1];
	p0 =	sne.s32 s2, $0x0  }
0x9b: {  	s3 =	rddreg [dreg:$0x2];
	[bflag:$0x3] =	sbarrier.arrive $0xFFFF;
	s2 =	simm.s32 @!p0 $0x1C03  }
0x9c: {  	[timem:s3], [sflag:s2] =	dma.local @!p0 [hbm:s0], s1  }
0x9d: {  	s0 =	simm.s32 @!p0 $0x3  }
0x9e: {  	_ =	swait.ge @!p0 [sflag:s0], s1  }
0x9f: {  	s1 =	ssub.s32 @!p0 $0x0, s1;
	[sflag:s0] =	ssyncset.done @!p0 $0x0  }
0xa0: {  	[sflag:s0] =	ssyncadd.s32 @!p0 s1  }
0xa1: {  	[bflag:$0x3] =	sbarrier.arrive $0xFFFF  }
0xa2: {  	_ =	shalt  }

</sc_bundles>
